<compile_context>
chip_gen: v7x
topology: tpu7x:2x2x1
jax: 0.10.2.dev20260603
libtpu: 0.0.44.dev20260713+nightly
codegen_flags: <defaults>
</compile_context>

<pallas_src>
import functools

import jax
import jax.numpy as jnp
from jax import lax
from jax.experimental import pallas as pl
from jax.experimental.pallas import tpu as pltpu
from jax.experimental.pallas import tpu_sc as plsc

_NC = 2
_NS = 16
_NW = _NC * _NS
_CH = 128
_NBUF = 10


_TB = 12288


def _tc_repack(embT, v, d):
    def kern(x_ref, i_ref, o_ref):
        o_ref[...] = jax.lax.dot_general(
            x_ref[...],
            i_ref[...],
            (((0,), (0,)), ((), ())),
            precision=jax.lax.Precision.HIGHEST,
        )

    ident2 = jnp.concatenate(
        [jnp.eye(d, dtype=jnp.float32)] * 2, axis=1
    )
    return pl.pallas_call(
        kern,
        grid=(pl.cdiv(v, _TB),),
        in_specs=[
            pl.BlockSpec((d, _TB), lambda c: (0, c)),
            pl.BlockSpec((d, 2 * d), lambda c: (0, 0)),
        ],
        out_specs=pl.BlockSpec((_TB, 2 * d), lambda c: (c, 0)),
        out_shape=jax.ShapeDtypeStruct((v, 2 * d), jnp.float32),
    )(embT, ident2)


@functools.partial(jax.jit, static_argnames=("nchunk", "d", "v"))
def _sc_gather(tbl1d, idx3, nchunk, d, v):
    tbl = tbl1d.reshape(v, d)
    total = _NW * nchunk * _CH
    ngroup = nchunk // _NBUF

    mesh = plsc.VectorSubcoreMesh(core_axis_name="c", subcore_axis_name="s")

    @functools.partial(
        pl.kernel,
        out_type=jax.ShapeDtypeStruct((total, 128), jnp.float32),
        mesh=mesh,
        scratch_types=[
            pltpu.VMEM((nchunk, _CH), jnp.int32),
            pltpu.VMEM((_NBUF, _CH, d), jnp.float32),
            [pltpu.SemaphoreType.DMA] * _NBUF,
            [pltpu.SemaphoreType.DMA] * _NBUF,
        ],
        compiler_params=pltpu.CompilerParams(use_tc_tiling_on_sc=False),
    )
    def body(table_hbm, idx_hbm, out_hbm, idx_v, rows_v, gsem, ssem):
        wid = lax.axis_index("s") * _NC + lax.axis_index("c")
        pltpu.sync_copy(idx_hbm.at[wid], idx_v)
        base = wid * (nchunk * _CH)

        def group(g, carry):
            j0 = g * _NBUF
            for b in range(_NBUF):
                @pl.when(g > 0)
                def _wait_store():
                    pltpu.make_async_copy(
                        rows_v.at[b],
                        out_hbm.at[pl.ds(base, _CH), pl.ds(0, d)],
                        ssem[b],
                    ).wait()

                pltpu.async_copy(
                    table_hbm.at[idx_v.at[j0 + b]], rows_v.at[b], gsem[b]
                )
            for b in range(_NBUF):
                pltpu.make_async_copy(
                    table_hbm.at[idx_v.at[j0 + b]], rows_v.at[b], gsem[b]
                ).wait()
                pltpu.async_copy(
                    rows_v.at[b],
                    out_hbm.at[pl.ds(base + (j0 + b) * _CH, _CH), pl.ds(0, d)],
                    ssem[b],
                )
            return carry

        lax.fori_loop(0, ngroup, group, 0)
        for b in range(_NBUF):
            pltpu.make_async_copy(
                rows_v.at[b], out_hbm.at[pl.ds(base, _CH), pl.ds(0, d)], ssem[b]
            ).wait()

    return body(tbl, idx3)


def kernel(X, emb_weight):
    b, t = X.shape
    v, d = emb_weight.shape
    total = b * t
    assert total % (_NW * _CH) == 0
    nchunk = total // (_NW * _CH)
    idx3 = (X.astype(jnp.int32) * 2).reshape(_NW, nchunk, _CH)
    tbl_lin = _tc_repack(emb_weight.T, v, d)
    out128 = _sc_gather(tbl_lin.reshape(-1), idx3, nchunk, d, 2 * v)
    return out128.reshape(b, t, 128)[:, :, :d]

# --- scband reference (transcript-rebuilt; emitter-appended) ---
"""Pipeline reference for scband-token-embedding-6493990552345 (READ-ONLY COPY).

The authoritative reference and input builder live on the scoring server;
editing this copy changes nothing except your own understanding.
"""

import jax, jax.numpy as jnp
import numpy as np

VOCAB = 1000000
HIDDEN = 64

def setup_inputs(seed: int = 0) -> dict:
    key = jax.random.key(seed)
    k_idx, k_emb = jax.random.split(key)
    X = jax.random.randint(k_idx, (4096, 200), 0, VOCAB, dtype=jnp.int64 if jax.config.jax_enable_x64 else jnp.int32)
    emb_weight = jax.random.normal(k_emb, (VOCAB, HIDDEN), dtype=jnp.float32)
    return {"X": X, "emb_weight": emb_weight}

def reference(X, emb_weight):
    # nn.Embedding lookup: table[idx]
    output = jnp.take(emb_weight, X, axis=0)
    return output

if __name__ == "__main__":
    import jax
    _d = setup_inputs()
    print(jax.jit(kernel)(*tuple(_d.values())))

</pallas_src>

<mosaic_0001>
#map = affine_map<(d0, d1) -> (0, 0)>
#map1 = affine_map<(d0, d1) -> (0, 0, 0)>
module attributes {stable_mosaic.version = 14 : i64} {
  func.func @body(%arg0: i32, %arg1: i32, %arg2: memref<2000000x64xf32, #tpu.memory_space<hbm>>, %arg3: memref<32x200x128xi32, #tpu.memory_space<hbm>>, %arg4: memref<819200x128xf32, #tpu.memory_space<hbm>>, %arg5: memref<200x128xi32, #tpu.memory_space<vmem>>, %arg6: memref<10x128x64xf32, #tpu.memory_space<vmem>>, %arg7: memref<!tpu.dma_semaphore, #tpu.memory_space<semaphore_mem>>, %arg8: memref<!tpu.dma_semaphore, #tpu.memory_space<semaphore_mem>>, %arg9: memref<!tpu.dma_semaphore, #tpu.memory_space<semaphore_mem>>, %arg10: memref<!tpu.dma_semaphore, #tpu.memory_space<semaphore_mem>>, %arg11: memref<!tpu.dma_semaphore, #tpu.memory_space<semaphore_mem>>, %arg12: memref<!tpu.dma_semaphore, #tpu.memory_space<semaphore_mem>>, %arg13: memref<!tpu.dma_semaphore, #tpu.memory_space<semaphore_mem>>, %arg14: memref<!tpu.dma_semaphore, #tpu.memory_space<semaphore_mem>>, %arg15: memref<!tpu.dma_semaphore, #tpu.memory_space<semaphore_mem>>, %arg16: memref<!tpu.dma_semaphore, #tpu.memory_space<semaphore_mem>>, %arg17: memref<!tpu.dma_semaphore, #tpu.memory_space<semaphore_mem>>, %arg18: memref<!tpu.dma_semaphore, #tpu.memory_space<semaphore_mem>>, %arg19: memref<!tpu.dma_semaphore, #tpu.memory_space<semaphore_mem>>, %arg20: memref<!tpu.dma_semaphore, #tpu.memory_space<semaphore_mem>>, %arg21: memref<!tpu.dma_semaphore, #tpu.memory_space<semaphore_mem>>, %arg22: memref<!tpu.dma_semaphore, #tpu.memory_space<semaphore_mem>>, %arg23: memref<!tpu.dma_semaphore, #tpu.memory_space<semaphore_mem>>, %arg24: memref<!tpu.dma_semaphore, #tpu.memory_space<semaphore_mem>>, %arg25: memref<!tpu.dma_semaphore, #tpu.memory_space<semaphore_mem>>, %arg26: memref<!tpu.dma_semaphore, #tpu.memory_space<semaphore_mem>>) attributes {dimension_semantics = [#tpu.dimension_semantics<core_parallel>, #tpu.dimension_semantics<subcore_parallel>], iteration_bounds = array<i64: 2, 16>, scalar_prefetch = 0 : i64, scratch_operands = 22 : i64, tpu.core_type = #tpu.core_type<sc_vector_subcore>, window_params = [{transform_indices = #map}, {transform_indices = #map1}, {transform_indices = #map}]} {
    %mul3A = arith.constant 2 : i32
    %mul3A_0 = arith.muli %arg1, %mul3A : i32
    %add3A = arith.addi %mul3A_0, %arg0 : i32
    "tpu.region"() ({
      %run_scoped3A = tpu.sem_alloc : memref<!tpu.dma_semaphore, #tpu.memory_space<semaphore_mem>>
      %dma_start3A = arith.constant 0 : i32
      %dma_start3A_137 = arith.constant 0 : i32
      %dma_start3A_138 = tpu.memref_slice %arg3[%add3A, %dma_start3A, %dma_start3A_137] : memref<32x200x128xi32, #tpu.memory_space<hbm>> -> memref<1x200x128xi32, #tpu.memory_space<hbm>>
      %dma_start3A_139 = tpu.memref_squeeze %dma_start3A_138 : memref<1x200x128xi32, #tpu.memory_space<hbm>> -> memref<200x128xi32, #tpu.memory_space<hbm>>
      %dma_start3A_140 = arith.constant 0 : i32
      %dma_start3A_141 = arith.constant 0 : i32
      %dma_start3A_142 = tpu.memref_slice %arg3[%add3A, %dma_start3A_140, %dma_start3A_141] : memref<32x200x128xi32, #tpu.memory_space<hbm>> -> memref<1x200x128xi32, #tpu.memory_space<hbm>>
      %dma_start3A_143 = tpu.memref_squeeze %dma_start3A_142 : memref<1x200x128xi32, #tpu.memory_space<hbm>> -> memref<200x128xi32, #tpu.memory_space<hbm>>
      tpu.enqueue_dma source(%dma_start3A_143 : memref<200x128xi32, #tpu.memory_space<hbm>>) target(%arg5 : memref<200x128xi32, #tpu.memory_space<vmem>>) target_semaphore(%run_scoped3A : memref<!tpu.dma_semaphore, #tpu.memory_space<semaphore_mem>>)
      %dma_wait3A_144 = arith.constant 0 : i32
      %dma_wait3A_145 = arith.constant 0 : i32
      %dma_wait3A_146 = tpu.memref_slice %arg3[%add3A, %dma_wait3A_144, %dma_wait3A_145] : memref<32x200x128xi32, #tpu.memory_space<hbm>> -> memref<1x200x128xi32, #tpu.memory_space<hbm>>
      %dma_wait3A_147 = tpu.memref_squeeze %dma_wait3A_146 : memref<1x200x128xi32, #tpu.memory_space<hbm>> -> memref<200x128xi32, #tpu.memory_space<hbm>>
      %dma_wait3A_148 = arith.constant 0 : i32
      %dma_wait3A_149 = arith.constant 0 : i32
      %dma_wait3A_150 = tpu.memref_slice %arg3[%add3A, %dma_wait3A_148, %dma_wait3A_149] : memref<32x200x128xi32, #tpu.memory_space<hbm>> -> memref<1x200x128xi32, #tpu.memory_space<hbm>>
      %dma_wait3A_151 = tpu.memref_squeeze %dma_wait3A_150 : memref<1x200x128xi32, #tpu.memory_space<hbm>> -> memref<200x128xi32, #tpu.memory_space<hbm>>
      tpu.wait_dma2 semaphore(%run_scoped3A : memref<!tpu.dma_semaphore, #tpu.memory_space<semaphore_mem>>) src(%dma_wait3A_151 : memref<200x128xi32, #tpu.memory_space<hbm>>) dst(%arg5 : memref<200x128xi32, #tpu.memory_space<vmem>>)
      tpu.yield
    }) : () -> ()
    %mul3A_1 = arith.constant 25600 : i32
    %mul3A_2 = arith.muli %add3A, %mul3A_1 : i32
    %scan3A = arith.constant 0 : i32
    %scan3A_3 = arith.constant 0 : i32
    %scan3A_4 = arith.constant 20 : i32
    %scan3A_5 = arith.addi %scan3A_3, %scan3A_4 : i32
    %scan3A_6 = arith.constant 1 : i32
    scf.for %scan3A_137 = %scan3A_3 to %scan3A_5 step %scan3A_6  : i32 {
      %mul3A_138 = arith.constant 10 : i32
      %mul3A_139 = arith.muli %scan3A_137, %mul3A_138 : i32
      %gt3A = arith.constant 0 : i32
      %gt3A_140 = arith.cmpi sgt, %scan3A_137, %gt3A : i32
      %convert_element_type3A = arith.extui %gt3A_140 : i1 to i32
      %cond3A = arith.constant 0 : i32
      %cond3A_141 = arith.cmpi ne, %convert_element_type3A, %cond3A : i32
      scf.if %cond3A_141 {
        %dma_wait3A_626 = arith.constant 0 : i32
        %dma_wait3A_627 = arith.constant 0 : i32
        %dma_wait3A_628 = arith.constant 0 : i32
        %dma_wait3A_629 = tpu.memref_slice %arg6[%dma_wait3A_626, %dma_wait3A_627, %dma_wait3A_628] : memref<10x128x64xf32, #tpu.memory_space<vmem>> -> memref<1x128x64xf32, #tpu.memory_space<vmem>>
        %dma_wait3A_630 = tpu.memref_squeeze %dma_wait3A_629 : memref<1x128x64xf32, #tpu.memory_space<vmem>> -> memref<128x64xf32, #tpu.memory_space<vmem>>
        %dma_wait3A_631 = arith.constant 0 : i32
        %dma_wait3A_632 = tpu.memref_slice %arg4[%mul3A_2, %dma_wait3A_631] : memref<819200x128xf32, #tpu.memory_space<hbm>> -> memref<128x64xf32, #tpu.memory_space<hbm>>
        %dma_wait3A_633 = arith.constant 0 : i32
        %dma_wait3A_634 = tpu.memref_slice %arg4[%mul3A_2, %dma_wait3A_633] : memref<819200x128xf32, #tpu.memory_space<hbm>> -> memref<128x64xf32, #tpu.memory_space<hbm>>
        %dma_wait3A_635 = arith.constant 0 : i32
        %dma_wait3A_636 = arith.constant 0 : i32
        %dma_wait3A_637 = tpu.memref_slice %arg6[%dma_wait3A_626, %dma_wait3A_635, %dma_wait3A_636] : memref<10x128x64xf32, #tpu.memory_space<vmem>> -> memref<1x128x64xf32, #tpu.memory_space<vmem>>
        %dma_wait3A_638 = tpu.memref_squeeze %dma_wait3A_637 : memref<1x128x64xf32, #tpu.memory_space<vmem>> -> memref<128x64xf32, #tpu.memory_space<vmem>>
        tpu.wait_dma2 semaphore(%arg17 : memref<!tpu.dma_semaphore, #tpu.memory_space<semaphore_mem>>) src(%dma_wait3A_638 : memref<128x64xf32, #tpu.memory_space<vmem>>) dst(%dma_wait3A_634 : memref<128x64xf32, #tpu.memory_space<hbm>>)
      } else {
      }
      %add3A_142 = arith.constant 0 : i32
      %add3A_143 = arith.addi %mul3A_139, %add3A_142 : i32
      %dma_start3A = arith.constant 0 : i32
      %dma_start3A_144 = arith.constant 0 : i32
      %dma_start3A_145 = arith.constant 0 : i32
      %dma_start3A_146 = tpu.memref_slice %arg6[%dma_start3A, %dma_start3A_144, %dma_start3A_145] : memref<10x128x64xf32, #tpu.memory_space<vmem>> -> memref<1x128x64xf32, #tpu.memory_space<vmem>>
      %dma_start3A_147 = tpu.memref_squeeze %dma_start3A_146 : memref<1x128x64xf32, #tpu.memory_space<vmem>> -> memref<128x64xf32, #tpu.memory_space<vmem>>
      %dma_start3A_148 = arith.constant 0 : i32
      %dma_start3A_149 = tpu.memref_slice %arg5[%add3A_143, %dma_start3A_148] : memref<200x128xi32, #tpu.memory_space<vmem>> -> memref<1x128xi32, #tpu.memory_space<vmem>>
      %dma_start3A_150 = tpu.memref_squeeze %dma_start3A_149 : memref<1x128xi32, #tpu.memory_space<vmem>> -> memref<128xi32, #tpu.memory_space<vmem>>
      %dma_start3A_151 = arith.constant 0 : i32
      %dma_start3A_152 = arith.constant 0 : i32
      %dma_start3A_153 = tpu.memref_slice %arg2[%dma_start3A_151, %dma_start3A_152] : memref<2000000x64xf32, #tpu.memory_space<hbm>> -> memref<2000000x64xf32, #tpu.memory_space<hbm>>
      tpu.enqueue_indirect_dma source(%dma_start3A_153 : memref<2000000x64xf32, #tpu.memory_space<hbm>>) target(%dma_start3A_147 : memref<128x64xf32, #tpu.memory_space<vmem>>) offsets(%dma_start3A_150 : memref<128xi32, #tpu.memory_space<vmem>>) semaphore(%arg7 : memref<!tpu.dma_semaphore, #tpu.memory_space<semaphore_mem>>)
      %gt3A_154 = arith.constant 0 : i32
      %gt3A_155 = arith.cmpi sgt, %scan3A_137, %gt3A_154 : i32
      %convert_element_type3A_156 = arith.extui %gt3A_155 : i1 to i32
      %cond3A_157 = arith.constant 0 : i32
      %cond3A_158 = arith.cmpi ne, %convert_element_type3A_156, %cond3A_157 : i32
      scf.if %cond3A_158 {
        %dma_wait3A_626 = arith.constant 1 : i32
        %dma_wait3A_627 = arith.constant 0 : i32
        %dma_wait3A_628 = arith.constant 0 : i32
        %dma_wait3A_629 = tpu.memref_slice %arg6[%dma_wait3A_626, %dma_wait3A_627, %dma_wait3A_628] : memref<10x128x64xf32, #tpu.memory_space<vmem>> -> memref<1x128x64xf32, #tpu.memory_space<vmem>>
        %dma_wait3A_630 = tpu.memref_squeeze %dma_wait3A_629 : memref<1x128x64xf32, #tpu.memory_space<vmem>> -> memref<128x64xf32, #tpu.memory_space<vmem>>
        %dma_wait3A_631 = arith.constant 0 : i32
        %dma_wait3A_632 = tpu.memref_slice %arg4[%mul3A_2, %dma_wait3A_631] : memref<819200x128xf32, #tpu.memory_space<hbm>> -> memref<128x64xf32, #tpu.memory_space<hbm>>
        %dma_wait3A_633 = arith.constant 0 : i32
        %dma_wait3A_634 = tpu.memref_slice %arg4[%mul3A_2, %dma_wait3A_633] : memref<819200x128xf32, #tpu.memory_space<hbm>> -> memref<128x64xf32, #tpu.memory_space<hbm>>
        %dma_wait3A_635 = arith.constant 0 : i32
        %dma_wait3A_636 = arith.constant 0 : i32
        %dma_wait3A_637 = tpu.memref_slice %arg6[%dma_wait3A_626, %dma_wait3A_635, %dma_wait3A_636] : memref<10x128x64xf32, #tpu.memory_space<vmem>> -> memref<1x128x64xf32, #tpu.memory_space<vmem>>
        %dma_wait3A_638 = tpu.memref_squeeze %dma_wait3A_637 : memref<1x128x64xf32, #tpu.memory_space<vmem>> -> memref<128x64xf32, #tpu.memory_space<vmem>>
        tpu.wait_dma2 semaphore(%arg18 : memref<!tpu.dma_semaphore, #tpu.memory_space<semaphore_mem>>) src(%dma_wait3A_638 : memref<128x64xf32, #tpu.memory_space<vmem>>) dst(%dma_wait3A_634 : memref<128x64xf32, #tpu.memory_space<hbm>>)
      } else {
      }
      %add3A_159 = arith.constant 1 : i32
      %add3A_160 = arith.addi %mul3A_139, %add3A_159 : i32
      %dma_start3A_161 = arith.constant 1 : i32
      %dma_start3A_162 = arith.constant 0 : i32
      %dma_start3A_163 = arith.constant 0 : i32
      %dma_start3A_164 = tpu.memref_slice %arg6[%dma_start3A_161, %dma_start3A_162, %dma_start3A_163] : memref<10x128x64xf32, #tpu.memory_space<vmem>> -> memref<1x128x64xf32, #tpu.memory_space<vmem>>
      %dma_start3A_165 = tpu.memref_squeeze %dma_start3A_164 : memref<1x128x64xf32, #tpu.memory_space<vmem>> -> memref<128x64xf32, #tpu.memory_space<vmem>>
      %dma_start3A_166 = arith.constant 0 : i32
      %dma_start3A_167 = tpu.memref_slice %arg5[%add3A_160, %dma_start3A_166] : memref<200x128xi32, #tpu.memory_space<vmem>> -> memref<1x128xi32, #tpu.memory_space<vmem>>
      %dma_start3A_168 = tpu.memref_squeeze %dma_start3A_167 : memref<1x128xi32, #tpu.memory_space<vmem>> -> memref<128xi32, #tpu.memory_space<vmem>>
      %dma_start3A_169 = arith.constant 0 : i32
      %dma_start3A_170 = arith.constant 0 : i32
      %dma_start3A_171 = tpu.memref_slice %arg2[%dma_start3A_169, %dma_start3A_170] : memref<2000000x64xf32, #tpu.memory_space<hbm>> -> memref<2000000x64xf32, #tpu.memory_space<hbm>>
      tpu.enqueue_indirect_dma source(%dma_start3A_171 : memref<2000000x64xf32, #tpu.memory_space<hbm>>) target(%dma_start3A_165 : memref<128x64xf32, #tpu.memory_space<vmem>>) offsets(%dma_start3A_168 : memref<128xi32, #tpu.memory_space<vmem>>) semaphore(%arg8 : memref<!tpu.dma_semaphore, #tpu.memory_space<semaphore_mem>>)
      %gt3A_172 = arith.constant 0 : i32
      %gt3A_173 = arith.cmpi sgt, %scan3A_137, %gt3A_172 : i32
      %convert_element_type3A_174 = arith.extui %gt3A_173 : i1 to i32
      %cond3A_175 = arith.constant 0 : i32
      %cond3A_176 = arith.cmpi ne, %convert_element_type3A_174, %cond3A_175 : i32
      scf.if %cond3A_176 {
        %dma_wait3A_626 = arith.constant 2 : i32
        %dma_wait3A_627 = arith.constant 0 : i32
        %dma_wait3A_628 = arith.constant 0 : i32
        %dma_wait3A_629 = tpu.memref_slice %arg6[%dma_wait3A_626, %dma_wait3A_627, %dma_wait3A_628] : memref<10x128x64xf32, #tpu.memory_space<vmem>> -> memref<1x128x64xf32, #tpu.memory_space<vmem>>
        %dma_wait3A_630 = tpu.memref_squeeze %dma_wait3A_629 : memref<1x128x64xf32, #tpu.memory_space<vmem>> -> memref<128x64xf32, #tpu.memory_space<vmem>>
        %dma_wait3A_631 = arith.constant 0 : i32
        %dma_wait3A_632 = tpu.memref_slice %arg4[%mul3A_2, %dma_wait3A_631] : memref<819200x128xf32, #tpu.memory_space<hbm>> -> memref<128x64xf32, #tpu.memory_space<hbm>>
        %dma_wait3A_633 = arith.constant 0 : i32
        %dma_wait3A_634 = tpu.memref_slice %arg4[%mul3A_2, %dma_wait3A_633] : memref<819200x128xf32, #tpu.memory_space<hbm>> -> memref<128x64xf32, #tpu.memory_space<hbm>>
        %dma_wait3A_635 = arith.constant 0 : i32
        %dma_wait3A_636 = arith.constant 0 : i32
        %dma_wait3A_637 = tpu.memref_slice %arg6[%dma_wait3A_626, %dma_wait3A_635, %dma_wait3A_636] : memref<10x128x64xf32, #tpu.memory_space<vmem>> -> memref<1x128x64xf32, #tpu.memory_space<vmem>>
        %dma_wait3A_638 = tpu.memref_squeeze %dma_wait3A_637 : memref<1x128x64xf32, #tpu.memory_space<vmem>> -> memref<128x64xf32, #tpu.memory_space<vmem>>
        tpu.wait_dma2 semaphore(%arg19 : memref<!tpu.dma_semaphore, #tpu.memory_space<semaphore_mem>>) src(%dma_wait3A_638 : memref<128x64xf32, #tpu.memory_space<vmem>>) dst(%dma_wait3A_634 : memref<128x64xf32, #tpu.memory_space<hbm>>)
      } else {
      }
      %add3A_177 = arith.constant 2 : i32
      %add3A_178 = arith.addi %mul3A_139, %add3A_177 : i32
      %dma_start3A_179 = arith.constant 2 : i32
      %dma_start3A_180 = arith.constant 0 : i32
      %dma_start3A_181 = arith.constant 0 : i32
      %dma_start3A_182 = tpu.memref_slice %arg6[%dma_start3A_179, %dma_start3A_180, %dma_start3A_181] : memref<10x128x64xf32, #tpu.memory_space<vmem>> -> memref<1x128x64xf32, #tpu.memory_space<vmem>>
      %dma_start3A_183 = tpu.memref_squeeze %dma_start3A_182 : memref<1x128x64xf32, #tpu.memory_space<vmem>> -> memref<128x64xf32, #tpu.memory_space<vmem>>
      %dma_start3A_184 = arith.constant 0 : i32
      %dma_start3A_185 = tpu.memref_slice %arg5[%add3A_178, %dma_start3A_184] : memref<200x128xi32, #tpu.memory_space<vmem>> -> memref<1x128xi32, #tpu.memory_space<vmem>>
      %dma_start3A_186 = tpu.memref_squeeze %dma_start3A_185 : memref<1x128xi32, #tpu.memory_space<vmem>> -> memref<128xi32, #tpu.memory_space<vmem>>
      %dma_start3A_187 = arith.constant 0 : i32
      %dma_start3A_188 = arith.constant 0 : i32
      %dma_start3A_189 = tpu.memref_slice %arg2[%dma_start3A_187, %dma_start3A_188] : memref<2000000x64xf32, #tpu.memory_space<hbm>> -> memref<2000000x64xf32, #tpu.memory_space<hbm>>
      tpu.enqueue_indirect_dma source(%dma_start3A_189 : memref<2000000x64xf32, #tpu.memory_space<hbm>>) target(%dma_start3A_183 : memref<128x64xf32, #tpu.memory_space<vmem>>) offsets(%dma_start3A_186 : memref<128xi32, #tpu.memory_space<vmem>>) semaphore(%arg9 : memref<!tpu.dma_semaphore, #tpu.memory_space<semaphore_mem>>)
      %gt3A_190 = arith.constant 0 : i32
      %gt3A_191 = arith.cmpi sgt, %scan3A_137, %gt3A_190 : i32
      %convert_element_type3A_192 = arith.extui %gt3A_191 : i1 to i32
      %cond3A_193 = arith.constant 0 : i32
      %cond3A_194 = arith.cmpi ne, %convert_element_type3A_192, %cond3A_193 : i32
      scf.if %cond3A_194 {
        %dma_wait3A_626 = arith.constant 3 : i32
        %dma_wait3A_627 = arith.constant 0 : i32
        %dma_wait3A_628 = arith.constant 0 : i32
        %dma_wait3A_629 = tpu.memref_slice %arg6[%dma_wait3A_626, %dma_wait3A_627, %dma_wait3A_628] : memref<10x128x64xf32, #tpu.memory_space<vmem>> -> memref<1x128x64xf32, #tpu.memory_space<vmem>>
        %dma_wait3A_630 = tpu.memref_squeeze %dma_wait3A_629 : memref<1x128x64xf32, #tpu.memory_space<vmem>> -> memref<128x64xf32, #tpu.memory_space<vmem>>
        %dma_wait3A_631 = arith.constant 0 : i32
        %dma_wait3A_632 = tpu.memref_slice %arg4[%mul3A_2, %dma_wait3A_631] : memref<819200x128xf32, #tpu.memory_space<hbm>> -> memref<128x64xf32, #tpu.memory_space<hbm>>
        %dma_wait3A_633 = arith.constant 0 : i32
        %dma_wait3A_634 = tpu.memref_slice %arg4[%mul3A_2, %dma_wait3A_633] : memref<819200x128xf32, #tpu.memory_space<hbm>> -> memref<128x64xf32, #tpu.memory_space<hbm>>
        %dma_wait3A_635 = arith.constant 0 : i32
        %dma_wait3A_636 = arith.constant 0 : i32
        %dma_wait3A_637 = tpu.memref_slice %arg6[%dma_wait3A_626, %dma_wait3A_635, %dma_wait3A_636] : memref<10x128x64xf32, #tpu.memory_space<vmem>> -> memref<1x128x64xf32, #tpu.memory_space<vmem>>
        %dma_wait3A_638 = tpu.memref_squeeze %dma_wait3A_637 : memref<1x128x64xf32, #tpu.memory_space<vmem>> -> memref<128x64xf32, #tpu.memory_space<vmem>>
        tpu.wait_dma2 semaphore(%arg20 : memref<!tpu.dma_semaphore, #tpu.memory_space<semaphore_mem>>) src(%dma_wait3A_638 : memref<128x64xf32, #tpu.memory_space<vmem>>) dst(%dma_wait3A_634 : memref<128x64xf32, #tpu.memory_space<hbm>>)
      } else {
      }
      %add3A_195 = arith.constant 3 : i32
      %add3A_196 = arith.addi %mul3A_139, %add3A_195 : i32
      %dma_start3A_197 = arith.constant 3 : i32
      %dma_start3A_198 = arith.constant 0 : i32
      %dma_start3A_199 = arith.constant 0 : i32
      %dma_start3A_200 = tpu.memref_slice %arg6[%dma_start3A_197, %dma_start3A_198, %dma_start3A_199] : memref<10x128x64xf32, #tpu.memory_space<vmem>> -> memref<1x128x64xf32, #tpu.memory_space<vmem>>
      %dma_start3A_201 = tpu.memref_squeeze %dma_start3A_200 : memref<1x128x64xf32, #tpu.memory_space<vmem>> -> memref<128x64xf32, #tpu.memory_space<vmem>>
      %dma_start3A_202 = arith.constant 0 : i32
      %dma_start3A_203 = tpu.memref_slice %arg5[%add3A_196, %dma_start3A_202] : memref<200x128xi32, #tpu.memory_space<vmem>> -> memref<1x128xi32, #tpu.memory_space<vmem>>
      %dma_start3A_204 = tpu.memref_squeeze %dma_start3A_203 : memref<1x128xi32, #tpu.memory_space<vmem>> -> memref<128xi32, #tpu.memory_space<vmem>>
      %dma_start3A_205 = arith.constant 0 : i32
      %dma_start3A_206 = arith.constant 0 : i32
      %dma_start3A_207 = tpu.memref_slice %arg2[%dma_start3A_205, %dma_start3A_206] : memref<2000000x64xf32, #tpu.memory_space<hbm>> -> memref<2000000x64xf32, #tpu.memory_space<hbm>>
      tpu.enqueue_indirect_dma source(%dma_start3A_207 : memref<2000000x64xf32, #tpu.memory_space<hbm>>) target(%dma_start3A_201 : memref<128x64xf32, #tpu.memory_space<vmem>>) offsets(%dma_start3A_204 : memref<128xi32, #tpu.memory_space<vmem>>) semaphore(%arg10 : memref<!tpu.dma_semaphore, #tpu.memory_space<semaphore_mem>>)
      %gt3A_208 = arith.constant 0 : i32
      %gt3A_209 = arith.cmpi sgt, %scan3A_137, %gt3A_208 : i32
      %convert_element_type3A_210 = arith.extui %gt3A_209 : i1 to i32
      %cond3A_211 = arith.constant 0 : i32
      %cond3A_212 = arith.cmpi ne, %convert_element_type3A_210, %cond3A_211 : i32
      scf.if %cond3A_212 {
        %dma_wait3A_626 = arith.constant 4 : i32
        %dma_wait3A_627 = arith.constant 0 : i32
        %dma_wait3A_628 = arith.constant 0 : i32
        %dma_wait3A_629 = tpu.memref_slice %arg6[%dma_wait3A_626, %dma_wait3A_627, %dma_wait3A_628] : memref<10x128x64xf32, #tpu.memory_space<vmem>> -> memref<1x128x64xf32, #tpu.memory_space<vmem>>
        %dma_wait3A_630 = tpu.memref_squeeze %dma_wait3A_629 : memref<1x128x64xf32, #tpu.memory_space<vmem>> -> memref<128x64xf32, #tpu.memory_space<vmem>>
        %dma_wait3A_631 = arith.constant 0 : i32
        %dma_wait3A_632 = tpu.memref_slice %arg4[%mul3A_2, %dma_wait3A_631] : memref<819200x128xf32, #tpu.memory_space<hbm>> -> memref<128x64xf32, #tpu.memory_space<hbm>>
        %dma_wait3A_633 = arith.constant 0 : i32
        %dma_wait3A_634 = tpu.memref_slice %arg4[%mul3A_2, %dma_wait3A_633] : memref<819200x128xf32, #tpu.memory_space<hbm>> -> memref<128x64xf32, #tpu.memory_space<hbm>>
        %dma_wait3A_635 = arith.constant 0 : i32
        %dma_wait3A_636 = arith.constant 0 : i32
        %dma_wait3A_637 = tpu.memref_slice %arg6[%dma_wait3A_626, %dma_wait3A_635, %dma_wait3A_636] : memref<10x128x64xf32, #tpu.memory_space<vmem>> -> memref<1x128x64xf32, #tpu.memory_space<vmem>>
        %dma_wait3A_638 = tpu.memref_squeeze %dma_wait3A_637 : memref<1x128x64xf32, #tpu.memory_space<vmem>> -> memref<128x64xf32, #tpu.memory_space<vmem>>
        tpu.wait_dma2 semaphore(%arg21 : memref<!tpu.dma_semaphore, #tpu.memory_space<semaphore_mem>>) src(%dma_wait3A_638 : memref<128x64xf32, #tpu.memory_space<vmem>>) dst(%dma_wait3A_634 : memref<128x64xf32, #tpu.memory_space<hbm>>)
      } else {
      }
      %add3A_213 = arith.constant 4 : i32
      %add3A_214 = arith.addi %mul3A_139, %add3A_213 : i32
      %dma_start3A_215 = arith.constant 4 : i32
      %dma_start3A_216 = arith.constant 0 : i32
      %dma_start3A_217 = arith.constant 0 : i32
      %dma_start3A_218 = tpu.memref_slice %arg6[%dma_start3A_215, %dma_start3A_216, %dma_start3A_217] : memref<10x128x64xf32, #tpu.memory_space<vmem>> -> memref<1x128x64xf32, #tpu.memory_space<vmem>>
      %dma_start3A_219 = tpu.memref_squeeze %dma_start3A_218 : memref<1x128x64xf32, #tpu.memory_space<vmem>> -> memref<128x64xf32, #tpu.memory_space<vmem>>
      %dma_start3A_220 = arith.constant 0 : i32
      %dma_start3A_221 = tpu.memref_slice %arg5[%add3A_214, %dma_start3A_220] : memref<200x128xi32, #tpu.memory_space<vmem>> -> memref<1x128xi32, #tpu.memory_space<vmem>>
      %dma_start3A_222 = tpu.memref_squeeze %dma_start3A_221 : memref<1x128xi32, #tpu.memory_space<vmem>> -> memref<128xi32, #tpu.memory_space<vmem>>
      %dma_start3A_223 = arith.constant 0 : i32
      %dma_start3A_224 = arith.constant 0 : i32
      %dma_start3A_225 = tpu.memref_slice %arg2[%dma_start3A_223, %dma_start3A_224] : memref<2000000x64xf32, #tpu.memory_space<hbm>> -> memref<2000000x64xf32, #tpu.memory_space<hbm>>
      tpu.enqueue_indirect_dma source(%dma_start3A_225 : memref<2000000x64xf32, #tpu.memory_space<hbm>>) target(%dma_start3A_219 : memref<128x64xf32, #tpu.memory_space<vmem>>) offsets(%dma_start3A_222 : memref<128xi32, #tpu.memory_space<vmem>>) semaphore(%arg11 : memref<!tpu.dma_semaphore, #tpu.memory_space<semaphore_mem>>)
      %gt3A_226 = arith.constant 0 : i32
      %gt3A_227 = arith.cmpi sgt, %scan3A_137, %gt3A_226 : i32
      %convert_element_type3A_228 = arith.extui %gt3A_227 : i1 to i32
      %cond3A_229 = arith.constant 0 : i32
      %cond3A_230 = arith.cmpi ne, %convert_element_type3A_228, %cond3A_229 : i32
      scf.if %cond3A_230 {
        %dma_wait3A_626 = arith.constant 5 : i32
        %dma_wait3A_627 = arith.constant 0 : i32
        %dma_wait3A_628 = arith.constant 0 : i32
        %dma_wait3A_629 = tpu.memref_slice %arg6[%dma_wait3A_626, %dma_wait3A_627, %dma_wait3A_628] : memref<10x128x64xf32, #tpu.memory_space<vmem>> -> memref<1x128x64xf32, #tpu.memory_space<vmem>>
        %dma_wait3A_630 = tpu.memref_squeeze %dma_wait3A_629 : memref<1x128x64xf32, #tpu.memory_space<vmem>> -> memref<128x64xf32, #tpu.memory_space<vmem>>
        %dma_wait3A_631 = arith.constant 0 : i32
        %dma_wait3A_632 = tpu.memref_slice %arg4[%mul3A_2, %dma_wait3A_631] : memref<819200x128xf32, #tpu.memory_space<hbm>> -> memref<128x64xf32, #tpu.memory_space<hbm>>
        %dma_wait3A_633 = arith.constant 0 : i32
        %dma_wait3A_634 = tpu.memref_slice %arg4[%mul3A_2, %dma_wait3A_633] : memref<819200x128xf32, #tpu.memory_space<hbm>> -> memref<128x64xf32, #tpu.memory_space<hbm>>
        %dma_wait3A_635 = arith.constant 0 : i32
        %dma_wait3A_636 = arith.constant 0 : i32
        %dma_wait3A_637 = tpu.memref_slice %arg6[%dma_wait3A_626, %dma_wait3A_635, %dma_wait3A_636] : memref<10x128x64xf32, #tpu.memory_space<vmem>> -> memref<1x128x64xf32, #tpu.memory_space<vmem>>
        %dma_wait3A_638 = tpu.memref_squeeze %dma_wait3A_637 : memref<1x128x64xf32, #tpu.memory_space<vmem>> -> memref<128x64xf32, #tpu.memory_space<vmem>>
        tpu.wait_dma2 semaphore(%arg22 : memref<!tpu.dma_semaphore, #tpu.memory_space<semaphore_mem>>) src(%dma_wait3A_638 : memref<128x64xf32, #tpu.memory_space<vmem>>) dst(%dma_wait3A_634 : memref<128x64xf32, #tpu.memory_space<hbm>>)
      } else {
      }
      %add3A_231 = arith.constant 5 : i32
      %add3A_232 = arith.addi %mul3A_139, %add3A_231 : i32
      %dma_start3A_233 = arith.constant 5 : i32
      %dma_start3A_234 = arith.constant 0 : i32
      %dma_start3A_235 = arith.constant 0 : i32
      %dma_start3A_236 = tpu.memref_slice %arg6[%dma_start3A_233, %dma_start3A_234, %dma_start3A_235] : memref<10x128x64xf32, #tpu.memory_space<vmem>> -> memref<1x128x64xf32, #tpu.memory_space<vmem>>
      %dma_start3A_237 = tpu.memref_squeeze %dma_start3A_236 : memref<1x128x64xf32, #tpu.memory_space<vmem>> -> memref<128x64xf32, #tpu.memory_space<vmem>>
      %dma_start3A_238 = arith.constant 0 : i32
      %dma_start3A_239 = tpu.memref_slice %arg5[%add3A_232, %dma_start3A_238] : memref<200x128xi32, #tpu.memory_space<vmem>> -> memref<1x128xi32, #tpu.memory_space<vmem>>
      %dma_start3A_240 = tpu.memref_squeeze %dma_start3A_239 : memref<1x128xi32, #tpu.memory_space<vmem>> -> memref<128xi32, #tpu.memory_space<vmem>>
      %dma_start3A_241 = arith.constant 0 : i32
      %dma_start3A_242 = arith.constant 0 : i32
      %dma_start3A_243 = tpu.memref_slice %arg2[%dma_start3A_241, %dma_start3A_242] : memref<2000000x64xf32, #tpu.memory_space<hbm>> -> memref<2000000x64xf32, #tpu.memory_space<hbm>>
      tpu.enqueue_indirect_dma source(%dma_start3A_243 : memref<2000000x64xf32, #tpu.memory_space<hbm>>) target(%dma_start3A_237 : memref<128x64xf32, #tpu.memory_space<vmem>>) offsets(%dma_start3A_240 : memref<128xi32, #tpu.memory_space<vmem>>) semaphore(%arg12 : memref<!tpu.dma_semaphore, #tpu.memory_space<semaphore_mem>>)
      %gt3A_244 = arith.constant 0 : i32
      %gt3A_245 = arith.cmpi sgt, %scan3A_137, %gt3A_244 : i32
      %convert_element_type3A_246 = arith.extui %gt3A_245 : i1 to i32
      %cond3A_247 = arith.constant 0 : i32
      %cond3A_248 = arith.cmpi ne, %convert_element_type3A_246, %cond3A_247 : i32
      scf.if %cond3A_248 {
        %dma_wait3A_626 = arith.constant 6 : i32
        %dma_wait3A_627 = arith.constant 0 : i32
        %dma_wait3A_628 = arith.constant 0 : i32
        %dma_wait3A_629 = tpu.memref_slice %arg6[%dma_wait3A_626, %dma_wait3A_627, %dma_wait3A_628] : memref<10x128x64xf32, #tpu.memory_space<vmem>> -> memref<1x128x64xf32, #tpu.memory_space<vmem>>
        %dma_wait3A_630 = tpu.memref_squeeze %dma_wait3A_629 : memref<1x128x64xf32, #tpu.memory_space<vmem>> -> memref<128x64xf32, #tpu.memory_space<vmem>>
        %dma_wait3A_631 = arith.constant 0 : i32
        %dma_wait3A_632 = tpu.memref_slice %arg4[%mul3A_2, %dma_wait3A_631] : memref<819200x128xf32, #tpu.memory_space<hbm>> -> memref<128x64xf32, #tpu.memory_space<hbm>>
        %dma_wait3A_633 = arith.constant 0 : i32
        %dma_wait3A_634 = tpu.memref_slice %arg4[%mul3A_2, %dma_wait3A_633] : memref<819200x128xf32, #tpu.memory_space<hbm>> -> memref<128x64xf32, #tpu.memory_space<hbm>>
        %dma_wait3A_635 = arith.constant 0 : i32
        %dma_wait3A_636 = arith.constant 0 : i32
        %dma_wait3A_637 = tpu.memref_slice %arg6[%dma_wait3A_626, %dma_wait3A_635, %dma_wait3A_636] : memref<10x128x64xf32, #tpu.memory_space<vmem>> -> memref<1x128x64xf32, #tpu.memory_space<vmem>>
        %dma_wait3A_638 = tpu.memref_squeeze %dma_wait3A_637 : memref<1x128x64xf32, #tpu.memory_space<vmem>> -> memref<128x64xf32, #tpu.memory_space<vmem>>
        tpu.wait_dma2 semaphore(%arg23 : memref<!tpu.dma_semaphore, #tpu.memory_space<semaphore_mem>>) src(%dma_wait3A_638 : memref<128x64xf32, #tpu.memory_space<vmem>>) dst(%dma_wait3A_634 : memref<128x64xf32, #tpu.memory_space<hbm>>)
      } else {
      }
      %add3A_249 = arith.constant 6 : i32
      %add3A_250 = arith.addi %mul3A_139, %add3A_249 : i32
      %dma_start3A_251 = arith.constant 6 : i32
      %dma_start3A_252 = arith.constant 0 : i32
      %dma_start3A_253 = arith.constant 0 : i32
      %dma_start3A_254 = tpu.memref_slice %arg6[%dma_start3A_251, %dma_start3A_252, %dma_start3A_253] : memref<10x128x64xf32, #tpu.memory_space<vmem>> -> memref<1x128x64xf32, #tpu.memory_space<vmem>>
      %dma_start3A_255 = tpu.memref_squeeze %dma_start3A_254 : memref<1x128x64xf32, #tpu.memory_space<vmem>> -> memref<128x64xf32, #tpu.memory_space<vmem>>
      %dma_start3A_256 = arith.constant 0 : i32
      %dma_start3A_257 = tpu.memref_slice %arg5[%add3A_250, %dma_start3A_256] : memref<200x128xi32, #tpu.memory_space<vmem>> -> memref<1x128xi32, #tpu.memory_space<vmem>>
      %dma_start3A_258 = tpu.memref_squeeze %dma_start3A_257 : memref<1x128xi32, #tpu.memory_space<vmem>> -> memref<128xi32, #tpu.memory_space<vmem>>
      %dma_start3A_259 = arith.constant 0 : i32
      %dma_start3A_260 = arith.constant 0 : i32
      %dma_start3A_261 = tpu.memref_slice %arg2[%dma_start3A_259, %dma_start3A_260] : memref<2000000x64xf32, #tpu.memory_space<hbm>> -> memref<2000000x64xf32, #tpu.memory_space<hbm>>
      tpu.enqueue_indirect_dma source(%dma_start3A_261 : memref<2000000x64xf32, #tpu.memory_space<hbm>>) target(%dma_start3A_255 : memref<128x64xf32, #tpu.memory_space<vmem>>) offsets(%dma_start3A_258 : memref<128xi32, #tpu.memory_space<vmem>>) semaphore(%arg13 : memref<!tpu.dma_semaphore, #tpu.memory_space<semaphore_mem>>)
      %gt3A_262 = arith.constant 0 : i32
      %gt3A_263 = arith.cmpi sgt, %scan3A_137, %gt3A_262 : i32
      %convert_element_type3A_264 = arith.extui %gt3A_263 : i1 to i32
      %cond3A_265 = arith.constant 0 : i32
      %cond3A_266 = arith.cmpi ne, %convert_element_type3A_264, %cond3A_265 : i32
      scf.if %cond3A_266 {
        %dma_wait3A_626 = arith.constant 7 : i32
        %dma_wait3A_627 = arith.constant 0 : i32
        %dma_wait3A_628 = arith.constant 0 : i32
        %dma_wait3A_629 = tpu.memref_slice %arg6[%dma_wait3A_626, %dma_wait3A_627, %dma_wait3A_628] : memref<10x128x64xf32, #tpu.memory_space<vmem>> -> memref<1x128x64xf32, #tpu.memory_space<vmem>>
        %dma_wait3A_630 = tpu.memref_squeeze %dma_wait3A_629 : memref<1x128x64xf32, #tpu.memory_space<vmem>> -> memref<128x64xf32, #tpu.memory_space<vmem>>
        %dma_wait3A_631 = arith.constant 0 : i32
        %dma_wait3A_632 = tpu.memref_slice %arg4[%mul3A_2, %dma_wait3A_631] : memref<819200x128xf32, #tpu.memory_space<hbm>> -> memref<128x64xf32, #tpu.memory_space<hbm>>
        %dma_wait3A_633 = arith.constant 0 : i32
        %dma_wait3A_634 = tpu.memref_slice %arg4[%mul3A_2, %dma_wait3A_633] : memref<819200x128xf32, #tpu.memory_space<hbm>> -> memref<128x64xf32, #tpu.memory_space<hbm>>
        %dma_wait3A_635 = arith.constant 0 : i32
        %dma_wait3A_636 = arith.constant 0 : i32
        %dma_wait3A_637 = tpu.memref_slice %arg6[%dma_wait3A_626, %dma_wait3A_635, %dma_wait3A_636] : memref<10x128x64xf32, #tpu.memory_space<vmem>> -> memref<1x128x64xf32, #tpu.memory_space<vmem>>
        %dma_wait3A_638 = tpu.memref_squeeze %dma_wait3A_637 : memref<1x128x64xf32, #tpu.memory_space<vmem>> -> memref<128x64xf32, #tpu.memory_space<vmem>>
        tpu.wait_dma2 semaphore(%arg24 : memref<!tpu.dma_semaphore, #tpu.memory_space<semaphore_mem>>) src(%dma_wait3A_638 : memref<128x64xf32, #tpu.memory_space<vmem>>) dst(%dma_wait3A_634 : memref<128x64xf32, #tpu.memory_space<hbm>>)
      } else {
      }
      %add3A_267 = arith.constant 7 : i32
      %add3A_268 = arith.addi %mul3A_139, %add3A_267 : i32
      %dma_start3A_269 = arith.constant 7 : i32
      %dma_start3A_270 = arith.constant 0 : i32
      %dma_start3A_271 = arith.constant 0 : i32
      %dma_start3A_272 = tpu.memref_slice %arg6[%dma_start3A_269, %dma_start3A_270, %dma_start3A_271] : memref<10x128x64xf32, #tpu.memory_space<vmem>> -> memref<1x128x64xf32, #tpu.memory_space<vmem>>
      %dma_start3A_273 = tpu.memref_squeeze %dma_start3A_272 : memref<1x128x64xf32, #tpu.memory_space<vmem>> -> memref<128x64xf32, #tpu.memory_space<vmem>>
      %dma_start3A_274 = arith.constant 0 : i32
      %dma_start3A_275 = tpu.memref_slice %arg5[%add3A_268, %dma_start3A_274] : memref<200x128xi32, #tpu.memory_space<vmem>> -> memref<1x128xi32, #tpu.memory_space<vmem>>
      %dma_start3A_276 = tpu.memref_squeeze %dma_start3A_275 : memref<1x128xi32, #tpu.memory_space<vmem>> -> memref<128xi32, #tpu.memory_space<vmem>>
      %dma_start3A_277 = arith.constant 0 : i32
      %dma_start3A_278 = arith.constant 0 : i32
      %dma_start3A_279 = tpu.memref_slice %arg2[%dma_start3A_277, %dma_start3A_278] : memref<2000000x64xf32, #tpu.memory_space<hbm>> -> memref<2000000x64xf32, #tpu.memory_space<hbm>>
      tpu.enqueue_indirect_dma source(%dma_start3A_279 : memref<2000000x64xf32, #tpu.memory_space<hbm>>) target(%dma_start3A_273 : memref<128x64xf32, #tpu.memory_space<vmem>>) offsets(%dma_start3A_276 : memref<128xi32, #tpu.memory_space<vmem>>) semaphore(%arg14 : memref<!tpu.dma_semaphore, #tpu.memory_space<semaphore_mem>>)
      %gt3A_280 = arith.constant 0 : i32
      %gt3A_281 = arith.cmpi sgt, %scan3A_137, %gt3A_280 : i32
      %convert_element_type3A_282 = arith.extui %gt3A_281 : i1 to i32
      %cond3A_283 = arith.constant 0 : i32
      %cond3A_284 = arith.cmpi ne, %convert_element_type3A_282, %cond3A_283 : i32
      scf.if %cond3A_284 {
        %dma_wait3A_626 = arith.constant 8 : i32
        %dma_wait3A_627 = arith.constant 0 : i32
        %dma_wait3A_628 = arith.constant 0 : i32
        %dma_wait3A_629 = tpu.memref_slice %arg6[%dma_wait3A_626, %dma_wait3A_627, %dma_wait3A_628] : memref<10x128x64xf32, #tpu.memory_space<vmem>> -> memref<1x128x64xf32, #tpu.memory_space<vmem>>
        %dma_wait3A_630 = tpu.memref_squeeze %dma_wait3A_629 : memref<1x128x64xf32, #tpu.memory_space<vmem>> -> memref<128x64xf32, #tpu.memory_space<vmem>>
        %dma_wait3A_631 = arith.constant 0 : i32
        %dma_wait3A_632 = tpu.memref_slice %arg4[%mul3A_2, %dma_wait3A_631] : memref<819200x128xf32, #tpu.memory_space<hbm>> -> memref<128x64xf32, #tpu.memory_space<hbm>>
        %dma_wait3A_633 = arith.constant 0 : i32
        %dma_wait3A_634 = tpu.memref_slice %arg4[%mul3A_2, %dma_wait3A_633] : memref<819200x128xf32, #tpu.memory_space<hbm>> -> memref<128x64xf32, #tpu.memory_space<hbm>>
        %dma_wait3A_635 = arith.constant 0 : i32
        %dma_wait3A_636 = arith.constant 0 : i32
        %dma_wait3A_637 = tpu.memref_slice %arg6[%dma_wait3A_626, %dma_wait3A_635, %dma_wait3A_636] : memref<10x128x64xf32, #tpu.memory_space<vmem>> -> memref<1x128x64xf32, #tpu.memory_space<vmem>>
        %dma_wait3A_638 = tpu.memref_squeeze %dma_wait3A_637 : memref<1x128x64xf32, #tpu.memory_space<vmem>> -> memref<128x64xf32, #tpu.memory_space<vmem>>
        tpu.wait_dma2 semaphore(%arg25 : memref<!tpu.dma_semaphore, #tpu.memory_space<semaphore_mem>>) src(%dma_wait3A_638 : memref<128x64xf32, #tpu.memory_space<vmem>>) dst(%dma_wait3A_634 : memref<128x64xf32, #tpu.memory_space<hbm>>)
      } else {
      }
      %add3A_285 = arith.constant 8 : i32
      %add3A_286 = arith.addi %mul3A_139, %add3A_285 : i32
      %dma_start3A_287 = arith.constant 8 : i32
      %dma_start3A_288 = arith.constant 0 : i32
      %dma_start3A_289 = arith.constant 0 : i32
      %dma_start3A_290 = tpu.memref_slice %arg6[%dma_start3A_287, %dma_start3A_288, %dma_start3A_289] : memref<10x128x64xf32, #tpu.memory_space<vmem>> -> memref<1x128x64xf32, #tpu.memory_space<vmem>>
      %dma_start3A_291 = tpu.memref_squeeze %dma_start3A_290 : memref<1x128x64xf32, #tpu.memory_space<vmem>> -> memref<128x64xf32, #tpu.memory_space<vmem>>
      %dma_start3A_292 = arith.constant 0 : i32
      %dma_start3A_293 = tpu.memref_slice %arg5[%add3A_286, %dma_start3A_292] : memref<200x128xi32, #tpu.memory_space<vmem>> -> memref<1x128xi32, #tpu.memory_space<vmem>>
      %dma_start3A_294 = tpu.memref_squeeze %dma_start3A_293 : memref<1x128xi32, #tpu.memory_space<vmem>> -> memref<128xi32, #tpu.memory_space<vmem>>
      %dma_start3A_295 = arith.constant 0 : i32
      %dma_start3A_296 = arith.constant 0 : i32
      %dma_start3A_297 = tpu.memref_slice %arg2[%dma_start3A_295, %dma_start3A_296] : memref<2000000x64xf32, #tpu.memory_space<hbm>> -> memref<2000000x64xf32, #tpu.memory_space<hbm>>
      tpu.enqueue_indirect_dma source(%dma_start3A_297 : memref<2000000x64xf32, #tpu.memory_space<hbm>>) target(%dma_start3A_291 : memref<128x64xf32, #tpu.memory_space<vmem>>) offsets(%dma_start3A_294 : memref<128xi32, #tpu.memory_space<vmem>>) semaphore(%arg15 : memref<!tpu.dma_semaphore, #tpu.memory_space<semaphore_mem>>)
      %gt3A_298 = arith.constant 0 : i32
      %gt3A_299 = arith.cmpi sgt, %scan3A_137, %gt3A_298 : i32
      %convert_element_type3A_300 = arith.extui %gt3A_299 : i1 to i32
      %cond3A_301 = arith.constant 0 : i32
      %cond3A_302 = arith.cmpi ne, %convert_element_type3A_300, %cond3A_301 : i32
      scf.if %cond3A_302 {
        %dma_wait3A_626 = arith.constant 9 : i32
        %dma_wait3A_627 = arith.constant 0 : i32
        %dma_wait3A_628 = arith.constant 0 : i32
        %dma_wait3A_629 = tpu.memref_slice %arg6[%dma_wait3A_626, %dma_wait3A_627, %dma_wait3A_628] : memref<10x128x64xf32, #tpu.memory_space<vmem>> -> memref<1x128x64xf32, #tpu.memory_space<vmem>>
        %dma_wait3A_630 = tpu.memref_squeeze %dma_wait3A_629 : memref<1x128x64xf32, #tpu.memory_space<vmem>> -> memref<128x64xf32, #tpu.memory_space<vmem>>
        %dma_wait3A_631 = arith.constant 0 : i32
        %dma_wait3A_632 = tpu.memref_slice %arg4[%mul3A_2, %dma_wait3A_631] : memref<819200x128xf32, #tpu.memory_space<hbm>> -> memref<128x64xf32, #tpu.memory_space<hbm>>
        %dma_wait3A_633 = arith.constant 0 : i32
        %dma_wait3A_634 = tpu.memref_slice %arg4[%mul3A_2, %dma_wait3A_633] : memref<819200x128xf32, #tpu.memory_space<hbm>> -> memref<128x64xf32, #tpu.memory_space<hbm>>
        %dma_wait3A_635 = arith.constant 0 : i32
        %dma_wait3A_636 = arith.constant 0 : i32
        %dma_wait3A_637 = tpu.memref_slice %arg6[%dma_wait3A_626, %dma_wait3A_635, %dma_wait3A_636] : memref<10x128x64xf32, #tpu.memory_space<vmem>> -> memref<1x128x64xf32, #tpu.memory_space<vmem>>
        %dma_wait3A_638 = tpu.memref_squeeze %dma_wait3A_637 : memref<1x128x64xf32, #tpu.memory_space<vmem>> -> memref<128x64xf32, #tpu.memory_space<vmem>>
        tpu.wait_dma2 semaphore(%arg26 : memref<!tpu.dma_semaphore, #tpu.memory_space<semaphore_mem>>) src(%dma_wait3A_638 : memref<128x64xf32, #tpu.memory_space<vmem>>) dst(%dma_wait3A_634 : memref<128x64xf32, #tpu.memory_space<hbm>>)
      } else {
      }
      %add3A_303 = arith.constant 9 : i32
      %add3A_304 = arith.addi %mul3A_139, %add3A_303 : i32
      %dma_start3A_305 = arith.constant 9 : i32
      %dma_start3A_306 = arith.constant 0 : i32
      %dma_start3A_307 = arith.constant 0 : i32
      %dma_start3A_308 = tpu.memref_slice %arg6[%dma_start3A_305, %dma_start3A_306, %dma_start3A_307] : memref<10x128x64xf32, #tpu.memory_space<vmem>> -> memref<1x128x64xf32, #tpu.memory_space<vmem>>
      %dma_start3A_309 = tpu.memref_squeeze %dma_start3A_308 : memref<1x128x64xf32, #tpu.memory_space<vmem>> -> memref<128x64xf32, #tpu.memory_space<vmem>>
      %dma_start3A_310 = arith.constant 0 : i32
      %dma_start3A_311 = tpu.memref_slice %arg5[%add3A_304, %dma_start3A_310] : memref<200x128xi32, #tpu.memory_space<vmem>> -> memref<1x128xi32, #tpu.memory_space<vmem>>
      %dma_start3A_312 = tpu.memref_squeeze %dma_start3A_311 : memref<1x128xi32, #tpu.memory_space<vmem>> -> memref<128xi32, #tpu.memory_space<vmem>>
      %dma_start3A_313 = arith.constant 0 : i32
      %dma_start3A_314 = arith.constant 0 : i32
      %dma_start3A_315 = tpu.memref_slice %arg2[%dma_start3A_313, %dma_start3A_314] : memref<2000000x64xf32, #tpu.memory_space<hbm>> -> memref<2000000x64xf32, #tpu.memory_space<hbm>>
      tpu.enqueue_indirect_dma source(%dma_start3A_315 : memref<2000000x64xf32, #tpu.memory_space<hbm>>) target(%dma_start3A_309 : memref<128x64xf32, #tpu.memory_space<vmem>>) offsets(%dma_start3A_312 : memref<128xi32, #tpu.memory_space<vmem>>) semaphore(%arg16 : memref<!tpu.dma_semaphore, #tpu.memory_space<semaphore_mem>>)
      %add3A_316 = arith.constant 0 : i32
      %add3A_317 = arith.addi %mul3A_139, %add3A_316 : i32
      %dma_wait3A_318 = arith.constant 0 : i32
      %dma_wait3A_319 = arith.constant 0 : i32
      %dma_wait3A_320 = arith.constant 0 : i32
      %dma_wait3A_321 = tpu.memref_slice %arg6[%dma_wait3A_318, %dma_wait3A_319, %dma_wait3A_320] : memref<10x128x64xf32, #tpu.memory_space<vmem>> -> memref<1x128x64xf32, #tpu.memory_space<vmem>>
      %dma_wait3A_322 = tpu.memref_squeeze %dma_wait3A_321 : memref<1x128x64xf32, #tpu.memory_space<vmem>> -> memref<128x64xf32, #tpu.memory_space<vmem>>
      %dma_wait3A_323 = arith.constant 0 : i32
      %dma_wait3A_324 = tpu.memref_slice %arg5[%add3A_317, %dma_wait3A_323] : memref<200x128xi32, #tpu.memory_space<vmem>> -> memref<1x128xi32, #tpu.memory_space<vmem>>
      %dma_wait3A_325 = tpu.memref_squeeze %dma_wait3A_324 : memref<1x128xi32, #tpu.memory_space<vmem>> -> memref<128xi32, #tpu.memory_space<vmem>>
      %dma_wait3A_326 = arith.constant 0 : i32
      %dma_wait3A_327 = arith.constant 0 : i32
      %dma_wait3A_328 = tpu.memref_slice %arg2[%dma_wait3A_326, %dma_wait3A_327] : memref<2000000x64xf32, #tpu.memory_space<hbm>> -> memref<2000000x64xf32, #tpu.memory_space<hbm>>
      tpu.wait_indirect_dma semaphore(%arg7 : memref<!tpu.dma_semaphore, #tpu.memory_space<semaphore_mem>>) src(%dma_wait3A_328 : memref<2000000x64xf32, #tpu.memory_space<hbm>>) dst(%dma_wait3A_322 : memref<128x64xf32, #tpu.memory_space<vmem>>)
      %add3A_329 = arith.constant 0 : i32
      %add3A_330 = arith.addi %mul3A_139, %add3A_329 : i32
      %mul3A_331 = arith.constant 128 : i32
      %mul3A_332 = arith.muli %add3A_330, %mul3A_331 : i32
      %add3A_333 = arith.addi %mul3A_2, %mul3A_332 : i32
      %dma_start3A_334 = arith.constant 0 : i32
      %dma_start3A_335 = arith.constant 0 : i32
      %dma_start3A_336 = arith.constant 0 : i32
      %dma_start3A_337 = tpu.memref_slice %arg6[%dma_start3A_334, %dma_start3A_335, %dma_start3A_336] : memref<10x128x64xf32, #tpu.memory_space<vmem>> -> memref<1x128x64xf32, #tpu.memory_space<vmem>>
      %dma_start3A_338 = tpu.memref_squeeze %dma_start3A_337 : memref<1x128x64xf32, #tpu.memory_space<vmem>> -> memref<128x64xf32, #tpu.memory_space<vmem>>
      %dma_start3A_339 = arith.constant 0 : i32
      %dma_start3A_340 = tpu.memref_slice %arg4[%add3A_333, %dma_start3A_339] : memref<819200x128xf32, #tpu.memory_space<hbm>> -> memref<128x64xf32, #tpu.memory_space<hbm>>
      %dma_start3A_341 = arith.constant 0 : i32
      %dma_start3A_342 = tpu.memref_slice %arg4[%add3A_333, %dma_start3A_341] : memref<819200x128xf32, #tpu.memory_space<hbm>> -> memref<128x64xf32, #tpu.memory_space<hbm>>
      %dma_start3A_343 = arith.constant 0 : i32
      %dma_start3A_344 = arith.constant 0 : i32
      %dma_start3A_345 = tpu.memref_slice %arg6[%dma_start3A_334, %dma_start3A_343, %dma_start3A_344] : memref<10x128x64xf32, #tpu.memory_space<vmem>> -> memref<1x128x64xf32, #tpu.memory_space<vmem>>
      %dma_start3A_346 = tpu.memref_squeeze %dma_start3A_345 : memref<1x128x64xf32, #tpu.memory_space<vmem>> -> memref<128x64xf32, #tpu.memory_space<vmem>>
      tpu.enqueue_dma source(%dma_start3A_346 : memref<128x64xf32, #tpu.memory_space<vmem>>) target(%dma_start3A_342 : memref<128x64xf32, #tpu.memory_space<hbm>>) target_semaphore(%arg17 : memref<!tpu.dma_semaphore, #tpu.memory_space<semaphore_mem>>)
      %add3A_347 = arith.constant 1 : i32
      %add3A_348 = arith.addi %mul3A_139, %add3A_347 : i32
      %dma_wait3A_349 = arith.constant 1 : i32
      %dma_wait3A_350 = arith.constant 0 : i32
      %dma_wait3A_351 = arith.constant 0 : i32
      %dma_wait3A_352 = tpu.memref_slice %arg6[%dma_wait3A_349, %dma_wait3A_350, %dma_wait3A_351] : memref<10x128x64xf32, #tpu.memory_space<vmem>> -> memref<1x128x64xf32, #tpu.memory_space<vmem>>
      %dma_wait3A_353 = tpu.memref_squeeze %dma_wait3A_352 : memref<1x128x64xf32, #tpu.memory_space<vmem>> -> memref<128x64xf32, #tpu.memory_space<vmem>>
      %dma_wait3A_354 = arith.constant 0 : i32
      %dma_wait3A_355 = tpu.memref_slice %arg5[%add3A_348, %dma_wait3A_354] : memref<200x128xi32, #tpu.memory_space<vmem>> -> memref<1x128xi32, #tpu.memory_space<vmem>>
      %dma_wait3A_356 = tpu.memref_squeeze %dma_wait3A_355 : memref<1x128xi32, #tpu.memory_space<vmem>> -> memref<128xi32, #tpu.memory_space<vmem>>
      %dma_wait3A_357 = arith.constant 0 : i32
      %dma_wait3A_358 = arith.constant 0 : i32
      %dma_wait3A_359 = tpu.memref_slice %arg2[%dma_wait3A_357, %dma_wait3A_358] : memref<2000000x64xf32, #tpu.memory_space<hbm>> -> memref<2000000x64xf32, #tpu.memory_space<hbm>>
      tpu.wait_indirect_dma semaphore(%arg8 : memref<!tpu.dma_semaphore, #tpu.memory_space<semaphore_mem>>) src(%dma_wait3A_359 : memref<2000000x64xf32, #tpu.memory_space<hbm>>) dst(%dma_wait3A_353 : memref<128x64xf32, #tpu.memory_space<vmem>>)
      %add3A_360 = arith.constant 1 : i32
      %add3A_361 = arith.addi %mul3A_139, %add3A_360 : i32
      %mul3A_362 = arith.constant 128 : i32
      %mul3A_363 = arith.muli %add3A_361, %mul3A_362 : i32
      %add3A_364 = arith.addi %mul3A_2, %mul3A_363 : i32
      %dma_start3A_365 = arith.constant 1 : i32
      %dma_start3A_366 = arith.constant 0 : i32
      %dma_start3A_367 = arith.constant 0 : i32
      %dma_start3A_368 = tpu.memref_slice %arg6[%dma_start3A_365, %dma_start3A_366, %dma_start3A_367] : memref<10x128x64xf32, #tpu.memory_space<vmem>> -> memref<1x128x64xf32, #tpu.memory_space<vmem>>
      %dma_start3A_369 = tpu.memref_squeeze %dma_start3A_368 : memref<1x128x64xf32, #tpu.memory_space<vmem>> -> memref<128x64xf32, #tpu.memory_space<vmem>>
      %dma_start3A_370 = arith.constant 0 : i32
      %dma_start3A_371 = tpu.memref_slice %arg4[%add3A_364, %dma_start3A_370] : memref<819200x128xf32, #tpu.memory_space<hbm>> -> memref<128x64xf32, #tpu.memory_space<hbm>>
      %dma_start3A_372 = arith.constant 0 : i32
      %dma_start3A_373 = tpu.memref_slice %arg4[%add3A_364, %dma_start3A_372] : memref<819200x128xf32, #tpu.memory_space<hbm>> -> memref<128x64xf32, #tpu.memory_space<hbm>>
      %dma_start3A_374 = arith.constant 0 : i32
      %dma_start3A_375 = arith.constant 0 : i32
      %dma_start3A_376 = tpu.memref_slice %arg6[%dma_start3A_365, %dma_start3A_374, %dma_start3A_375] : memref<10x128x64xf32, #tpu.memory_space<vmem>> -> memref<1x128x64xf32, #tpu.memory_space<vmem>>
      %dma_start3A_377 = tpu.memref_squeeze %dma_start3A_376 : memref<1x128x64xf32, #tpu.memory_space<vmem>> -> memref<128x64xf32, #tpu.memory_space<vmem>>
      tpu.enqueue_dma source(%dma_start3A_377 : memref<128x64xf32, #tpu.memory_space<vmem>>) target(%dma_start3A_373 : memref<128x64xf32, #tpu.memory_space<hbm>>) target_semaphore(%arg18 : memref<!tpu.dma_semaphore, #tpu.memory_space<semaphore_mem>>)
      %add3A_378 = arith.constant 2 : i32
      %add3A_379 = arith.addi %mul3A_139, %add3A_378 : i32
      %dma_wait3A_380 = arith.constant 2 : i32
      %dma_wait3A_381 = arith.constant 0 : i32
      %dma_wait3A_382 = arith.constant 0 : i32
      %dma_wait3A_383 = tpu.memref_slice %arg6[%dma_wait3A_380, %dma_wait3A_381, %dma_wait3A_382] : memref<10x128x64xf32, #tpu.memory_space<vmem>> -> memref<1x128x64xf32, #tpu.memory_space<vmem>>
      %dma_wait3A_384 = tpu.memref_squeeze %dma_wait3A_383 : memref<1x128x64xf32, #tpu.memory_space<vmem>> -> memref<128x64xf32, #tpu.memory_space<vmem>>
      %dma_wait3A_385 = arith.constant 0 : i32
      %dma_wait3A_386 = tpu.memref_slice %arg5[%add3A_379, %dma_wait3A_385] : memref<200x128xi32, #tpu.memory_space<vmem>> -> memref<1x128xi32, #tpu.memory_space<vmem>>
      %dma_wait3A_387 = tpu.memref_squeeze %dma_wait3A_386 : memref<1x128xi32, #tpu.memory_space<vmem>> -> memref<128xi32, #tpu.memory_space<vmem>>
      %dma_wait3A_388 = arith.constant 0 : i32
      %dma_wait3A_389 = arith.constant 0 : i32
      %dma_wait3A_390 = tpu.memref_slice %arg2[%dma_wait3A_388, %dma_wait3A_389] : memref<2000000x64xf32, #tpu.memory_space<hbm>> -> memref<2000000x64xf32, #tpu.memory_space<hbm>>
      tpu.wait_indirect_dma semaphore(%arg9 : memref<!tpu.dma_semaphore, #tpu.memory_space<semaphore_mem>>) src(%dma_wait3A_390 : memref<2000000x64xf32, #tpu.memory_space<hbm>>) dst(%dma_wait3A_384 : memref<128x64xf32, #tpu.memory_space<vmem>>)
      %add3A_391 = arith.constant 2 : i32
      %add3A_392 = arith.addi %mul3A_139, %add3A_391 : i32
      %mul3A_393 = arith.constant 128 : i32
      %mul3A_394 = arith.muli %add3A_392, %mul3A_393 : i32
      %add3A_395 = arith.addi %mul3A_2, %mul3A_394 : i32
      %dma_start3A_396 = arith.constant 2 : i32
      %dma_start3A_397 = arith.constant 0 : i32
      %dma_start3A_398 = arith.constant 0 : i32
      %dma_start3A_399 = tpu.memref_slice %arg6[%dma_start3A_396, %dma_start3A_397, %dma_start3A_398] : memref<10x128x64xf32, #tpu.memory_space<vmem>> -> memref<1x128x64xf32, #tpu.memory_space<vmem>>
      %dma_start3A_400 = tpu.memref_squeeze %dma_start3A_399 : memref<1x128x64xf32, #tpu.memory_space<vmem>> -> memref<128x64xf32, #tpu.memory_space<vmem>>
      %dma_start3A_401 = arith.constant 0 : i32
      %dma_start3A_402 = tpu.memref_slice %arg4[%add3A_395, %dma_start3A_401] : memref<819200x128xf32, #tpu.memory_space<hbm>> -> memref<128x64xf32, #tpu.memory_space<hbm>>
      %dma_start3A_403 = arith.constant 0 : i32
      %dma_start3A_404 = tpu.memref_slice %arg4[%add3A_395, %dma_start3A_403] : memref<819200x128xf32, #tpu.memory_space<hbm>> -> memref<128x64xf32, #tpu.memory_space<hbm>>
      %dma_start3A_405 = arith.constant 0 : i32
      %dma_start3A_406 = arith.constant 0 : i32
      %dma_start3A_407 = tpu.memref_slice %arg6[%dma_start3A_396, %dma_start3A_405, %dma_start3A_406] : memref<10x128x64xf32, #tpu.memory_space<vmem>> -> memref<1x128x64xf32, #tpu.memory_space<vmem>>
      %dma_start3A_408 = tpu.memref_squeeze %dma_start3A_407 : memref<1x128x64xf32, #tpu.memory_space<vmem>> -> memref<128x64xf32, #tpu.memory_space<vmem>>
      tpu.enqueue_dma source(%dma_start3A_408 : memref<128x64xf32, #tpu.memory_space<vmem>>) target(%dma_start3A_404 : memref<128x64xf32, #tpu.memory_space<hbm>>) target_semaphore(%arg19 : memref<!tpu.dma_semaphore, #tpu.memory_space<semaphore_mem>>)
      %add3A_409 = arith.constant 3 : i32
      %add3A_410 = arith.addi %mul3A_139, %add3A_409 : i32
      %dma_wait3A_411 = arith.constant 3 : i32
      %dma_wait3A_412 = arith.constant 0 : i32
      %dma_wait3A_413 = arith.constant 0 : i32
      %dma_wait3A_414 = tpu.memref_slice %arg6[%dma_wait3A_411, %dma_wait3A_412, %dma_wait3A_413] : memref<10x128x64xf32, #tpu.memory_space<vmem>> -> memref<1x128x64xf32, #tpu.memory_space<vmem>>
      %dma_wait3A_415 = tpu.memref_squeeze %dma_wait3A_414 : memref<1x128x64xf32, #tpu.memory_space<vmem>> -> memref<128x64xf32, #tpu.memory_space<vmem>>
      %dma_wait3A_416 = arith.constant 0 : i32
      %dma_wait3A_417 = tpu.memref_slice %arg5[%add3A_410, %dma_wait3A_416] : memref<200x128xi32, #tpu.memory_space<vmem>> -> memref<1x128xi32, #tpu.memory_space<vmem>>
      %dma_wait3A_418 = tpu.memref_squeeze %dma_wait3A_417 : memref<1x128xi32, #tpu.memory_space<vmem>> -> memref<128xi32, #tpu.memory_space<vmem>>
      %dma_wait3A_419 = arith.constant 0 : i32
      %dma_wait3A_420 = arith.constant 0 : i32
      %dma_wait3A_421 = tpu.memref_slice %arg2[%dma_wait3A_419, %dma_wait3A_420] : memref<2000000x64xf32, #tpu.memory_space<hbm>> -> memref<2000000x64xf32, #tpu.memory_space<hbm>>
      tpu.wait_indirect_dma semaphore(%arg10 : memref<!tpu.dma_semaphore, #tpu.memory_space<semaphore_mem>>) src(%dma_wait3A_421 : memref<2000000x64xf32, #tpu.memory_space<hbm>>) dst(%dma_wait3A_415 : memref<128x64xf32, #tpu.memory_space<vmem>>)
      %add3A_422 = arith.constant 3 : i32
      %add3A_423 = arith.addi %mul3A_139, %add3A_422 : i32
      %mul3A_424 = arith.constant 128 : i32
      %mul3A_425 = arith.muli %add3A_423, %mul3A_424 : i32
      %add3A_426 = arith.addi %mul3A_2, %mul3A_425 : i32
      %dma_start3A_427 = arith.constant 3 : i32
      %dma_start3A_428 = arith.constant 0 : i32
      %dma_start3A_429 = arith.constant 0 : i32
      %dma_start3A_430 = tpu.memref_slice %arg6[%dma_start3A_427, %dma_start3A_428, %dma_start3A_429] : memref<10x128x64xf32, #tpu.memory_space<vmem>> -> memref<1x128x64xf32, #tpu.memory_space<vmem>>
      %dma_start3A_431 = tpu.memref_squeeze %dma_start3A_430 : memref<1x128x64xf32, #tpu.memory_space<vmem>> -> memref<128x64xf32, #tpu.memory_space<vmem>>
      %dma_start3A_432 = arith.constant 0 : i32
      %dma_start3A_433 = tpu.memref_slice %arg4[%add3A_426, %dma_start3A_432] : memref<819200x128xf32, #tpu.memory_space<hbm>> -> memref<128x64xf32, #tpu.memory_space<hbm>>
      %dma_start3A_434 = arith.constant 0 : i32
      %dma_start3A_435 = tpu.memref_slice %arg4[%add3A_426, %dma_start3A_434] : memref<819200x128xf32, #tpu.memory_space<hbm>> -> memref<128x64xf32, #tpu.memory_space<hbm>>
      %dma_start3A_436 = arith.constant 0 : i32
      %dma_start3A_437 = arith.constant 0 : i32
      %dma_start3A_438 = tpu.memref_slice %arg6[%dma_start3A_427, %dma_start3A_436, %dma_start3A_437] : memref<10x128x64xf32, #tpu.memory_space<vmem>> -> memref<1x128x64xf32, #tpu.memory_space<vmem>>
      %dma_start3A_439 = tpu.memref_squeeze %dma_start3A_438 : memref<1x128x64xf32, #tpu.memory_space<vmem>> -> memref<128x64xf32, #tpu.memory_space<vmem>>
      tpu.enqueue_dma source(%dma_start3A_439 : memref<128x64xf32, #tpu.memory_space<vmem>>) target(%dma_start3A_435 : memref<128x64xf32, #tpu.memory_space<hbm>>) target_semaphore(%arg20 : memref<!tpu.dma_semaphore, #tpu.memory_space<semaphore_mem>>)
      %add3A_440 = arith.constant 4 : i32
      %add3A_441 = arith.addi %mul3A_139, %add3A_440 : i32
      %dma_wait3A_442 = arith.constant 4 : i32
      %dma_wait3A_443 = arith.constant 0 : i32
      %dma_wait3A_444 = arith.constant 0 : i32
      %dma_wait3A_445 = tpu.memref_slice %arg6[%dma_wait3A_442, %dma_wait3A_443, %dma_wait3A_444] : memref<10x128x64xf32, #tpu.memory_space<vmem>> -> memref<1x128x64xf32, #tpu.memory_space<vmem>>
      %dma_wait3A_446 = tpu.memref_squeeze %dma_wait3A_445 : memref<1x128x64xf32, #tpu.memory_space<vmem>> -> memref<128x64xf32, #tpu.memory_space<vmem>>
      %dma_wait3A_447 = arith.constant 0 : i32
      %dma_wait3A_448 = tpu.memref_slice %arg5[%add3A_441, %dma_wait3A_447] : memref<200x128xi32, #tpu.memory_space<vmem>> -> memref<1x128xi32, #tpu.memory_space<vmem>>
      %dma_wait3A_449 = tpu.memref_squeeze %dma_wait3A_448 : memref<1x128xi32, #tpu.memory_space<vmem>> -> memref<128xi32, #tpu.memory_space<vmem>>
      %dma_wait3A_450 = arith.constant 0 : i32
      %dma_wait3A_451 = arith.constant 0 : i32
      %dma_wait3A_452 = tpu.memref_slice %arg2[%dma_wait3A_450, %dma_wait3A_451] : memref<2000000x64xf32, #tpu.memory_space<hbm>> -> memref<2000000x64xf32, #tpu.memory_space<hbm>>
      tpu.wait_indirect_dma semaphore(%arg11 : memref<!tpu.dma_semaphore, #tpu.memory_space<semaphore_mem>>) src(%dma_wait3A_452 : memref<2000000x64xf32, #tpu.memory_space<hbm>>) dst(%dma_wait3A_446 : memref<128x64xf32, #tpu.memory_space<vmem>>)
      %add3A_453 = arith.constant 4 : i32
      %add3A_454 = arith.addi %mul3A_139, %add3A_453 : i32
      %mul3A_455 = arith.constant 128 : i32
      %mul3A_456 = arith.muli %add3A_454, %mul3A_455 : i32
      %add3A_457 = arith.addi %mul3A_2, %mul3A_456 : i32
      %dma_start3A_458 = arith.constant 4 : i32
      %dma_start3A_459 = arith.constant 0 : i32
      %dma_start3A_460 = arith.constant 0 : i32
      %dma_start3A_461 = tpu.memref_slice %arg6[%dma_start3A_458, %dma_start3A_459, %dma_start3A_460] : memref<10x128x64xf32, #tpu.memory_space<vmem>> -> memref<1x128x64xf32, #tpu.memory_space<vmem>>
      %dma_start3A_462 = tpu.memref_squeeze %dma_start3A_461 : memref<1x128x64xf32, #tpu.memory_space<vmem>> -> memref<128x64xf32, #tpu.memory_space<vmem>>
      %dma_start3A_463 = arith.constant 0 : i32
      %dma_start3A_464 = tpu.memref_slice %arg4[%add3A_457, %dma_start3A_463] : memref<819200x128xf32, #tpu.memory_space<hbm>> -> memref<128x64xf32, #tpu.memory_space<hbm>>
      %dma_start3A_465 = arith.constant 0 : i32
      %dma_start3A_466 = tpu.memref_slice %arg4[%add3A_457, %dma_start3A_465] : memref<819200x128xf32, #tpu.memory_space<hbm>> -> memref<128x64xf32, #tpu.memory_space<hbm>>
      %dma_start3A_467 = arith.constant 0 : i32
      %dma_start3A_468 = arith.constant 0 : i32
      %dma_start3A_469 = tpu.memref_slice %arg6[%dma_start3A_458, %dma_start3A_467, %dma_start3A_468] : memref<10x128x64xf32, #tpu.memory_space<vmem>> -> memref<1x128x64xf32, #tpu.memory_space<vmem>>
      %dma_start3A_470 = tpu.memref_squeeze %dma_start3A_469 : memref<1x128x64xf32, #tpu.memory_space<vmem>> -> memref<128x64xf32, #tpu.memory_space<vmem>>
      tpu.enqueue_dma source(%dma_start3A_470 : memref<128x64xf32, #tpu.memory_space<vmem>>) target(%dma_start3A_466 : memref<128x64xf32, #tpu.memory_space<hbm>>) target_semaphore(%arg21 : memref<!tpu.dma_semaphore, #tpu.memory_space<semaphore_mem>>)
      %add3A_471 = arith.constant 5 : i32
      %add3A_472 = arith.addi %mul3A_139, %add3A_471 : i32
      %dma_wait3A_473 = arith.constant 5 : i32
      %dma_wait3A_474 = arith.constant 0 : i32
      %dma_wait3A_475 = arith.constant 0 : i32
      %dma_wait3A_476 = tpu.memref_slice %arg6[%dma_wait3A_473, %dma_wait3A_474, %dma_wait3A_475] : memref<10x128x64xf32, #tpu.memory_space<vmem>> -> memref<1x128x64xf32, #tpu.memory_space<vmem>>
      %dma_wait3A_477 = tpu.memref_squeeze %dma_wait3A_476 : memref<1x128x64xf32, #tpu.memory_space<vmem>> -> memref<128x64xf32, #tpu.memory_space<vmem>>
      %dma_wait3A_478 = arith.constant 0 : i32
      %dma_wait3A_479 = tpu.memref_slice %arg5[%add3A_472, %dma_wait3A_478] : memref<200x128xi32, #tpu.memory_space<vmem>> -> memref<1x128xi32, #tpu.memory_space<vmem>>
      %dma_wait3A_480 = tpu.memref_squeeze %dma_wait3A_479 : memref<1x128xi32, #tpu.memory_space<vmem>> -> memref<128xi32, #tpu.memory_space<vmem>>
      %dma_wait3A_481 = arith.constant 0 : i32
      %dma_wait3A_482 = arith.constant 0 : i32
      %dma_wait3A_483 = tpu.memref_slice %arg2[%dma_wait3A_481, %dma_wait3A_482] : memref<2000000x64xf32, #tpu.memory_space<hbm>> -> memref<2000000x64xf32, #tpu.memory_space<hbm>>
      tpu.wait_indirect_dma semaphore(%arg12 : memref<!tpu.dma_semaphore, #tpu.memory_space<semaphore_mem>>) src(%dma_wait3A_483 : memref<2000000x64xf32, #tpu.memory_space<hbm>>) dst(%dma_wait3A_477 : memref<128x64xf32, #tpu.memory_space<vmem>>)
      %add3A_484 = arith.constant 5 : i32
      %add3A_485 = arith.addi %mul3A_139, %add3A_484 : i32
      %mul3A_486 = arith.constant 128 : i32
      %mul3A_487 = arith.muli %add3A_485, %mul3A_486 : i32
      %add3A_488 = arith.addi %mul3A_2, %mul3A_487 : i32
      %dma_start3A_489 = arith.constant 5 : i32
      %dma_start3A_490 = arith.constant 0 : i32
      %dma_start3A_491 = arith.constant 0 : i32
      %dma_start3A_492 = tpu.memref_slice %arg6[%dma_start3A_489, %dma_start3A_490, %dma_start3A_491] : memref<10x128x64xf32, #tpu.memory_space<vmem>> -> memref<1x128x64xf32, #tpu.memory_space<vmem>>
      %dma_start3A_493 = tpu.memref_squeeze %dma_start3A_492 : memref<1x128x64xf32, #tpu.memory_space<vmem>> -> memref<128x64xf32, #tpu.memory_space<vmem>>
      %dma_start3A_494 = arith.constant 0 : i32
      %dma_start3A_495 = tpu.memref_slice %arg4[%add3A_488, %dma_start3A_494] : memref<819200x128xf32, #tpu.memory_space<hbm>> -> memref<128x64xf32, #tpu.memory_space<hbm>>
      %dma_start3A_496 = arith.constant 0 : i32
      %dma_start3A_497 = tpu.memref_slice %arg4[%add3A_488, %dma_start3A_496] : memref<819200x128xf32, #tpu.memory_space<hbm>> -> memref<128x64xf32, #tpu.memory_space<hbm>>
      %dma_start3A_498 = arith.constant 0 : i32
      %dma_start3A_499 = arith.constant 0 : i32
      %dma_start3A_500 = tpu.memref_slice %arg6[%dma_start3A_489, %dma_start3A_498, %dma_start3A_499] : memref<10x128x64xf32, #tpu.memory_space<vmem>> -> memref<1x128x64xf32, #tpu.memory_space<vmem>>
      %dma_start3A_501 = tpu.memref_squeeze %dma_start3A_500 : memref<1x128x64xf32, #tpu.memory_space<vmem>> -> memref<128x64xf32, #tpu.memory_space<vmem>>
      tpu.enqueue_dma source(%dma_start3A_501 : memref<128x64xf32, #tpu.memory_space<vmem>>) target(%dma_start3A_497 : memref<128x64xf32, #tpu.memory_space<hbm>>) target_semaphore(%arg22 : memref<!tpu.dma_semaphore, #tpu.memory_space<semaphore_mem>>)
      %add3A_502 = arith.constant 6 : i32
      %add3A_503 = arith.addi %mul3A_139, %add3A_502 : i32
      %dma_wait3A_504 = arith.constant 6 : i32
      %dma_wait3A_505 = arith.constant 0 : i32
      %dma_wait3A_506 = arith.constant 0 : i32
      %dma_wait3A_507 = tpu.memref_slice %arg6[%dma_wait3A_504, %dma_wait3A_505, %dma_wait3A_506] : memref<10x128x64xf32, #tpu.memory_space<vmem>> -> memref<1x128x64xf32, #tpu.memory_space<vmem>>
      %dma_wait3A_508 = tpu.memref_squeeze %dma_wait3A_507 : memref<1x128x64xf32, #tpu.memory_space<vmem>> -> memref<128x64xf32, #tpu.memory_space<vmem>>
      %dma_wait3A_509 = arith.constant 0 : i32
      %dma_wait3A_510 = tpu.memref_slice %arg5[%add3A_503, %dma_wait3A_509] : memref<200x128xi32, #tpu.memory_space<vmem>> -> memref<1x128xi32, #tpu.memory_space<vmem>>
      %dma_wait3A_511 = tpu.memref_squeeze %dma_wait3A_510 : memref<1x128xi32, #tpu.memory_space<vmem>> -> memref<128xi32, #tpu.memory_space<vmem>>
      %dma_wait3A_512 = arith.constant 0 : i32
      %dma_wait3A_513 = arith.constant 0 : i32
      %dma_wait3A_514 = tpu.memref_slice %arg2[%dma_wait3A_512, %dma_wait3A_513] : memref<2000000x64xf32, #tpu.memory_space<hbm>> -> memref<2000000x64xf32, #tpu.memory_space<hbm>>
      tpu.wait_indirect_dma semaphore(%arg13 : memref<!tpu.dma_semaphore, #tpu.memory_space<semaphore_mem>>) src(%dma_wait3A_514 : memref<2000000x64xf32, #tpu.memory_space<hbm>>) dst(%dma_wait3A_508 : memref<128x64xf32, #tpu.memory_space<vmem>>)
      %add3A_515 = arith.constant 6 : i32
      %add3A_516 = arith.addi %mul3A_139, %add3A_515 : i32
      %mul3A_517 = arith.constant 128 : i32
      %mul3A_518 = arith.muli %add3A_516, %mul3A_517 : i32
      %add3A_519 = arith.addi %mul3A_2, %mul3A_518 : i32
      %dma_start3A_520 = arith.constant 6 : i32
      %dma_start3A_521 = arith.constant 0 : i32
      %dma_start3A_522 = arith.constant 0 : i32
      %dma_start3A_523 = tpu.memref_slice %arg6[%dma_start3A_520, %dma_start3A_521, %dma_start3A_522] : memref<10x128x64xf32, #tpu.memory_space<vmem>> -> memref<1x128x64xf32, #tpu.memory_space<vmem>>
      %dma_start3A_524 = tpu.memref_squeeze %dma_start3A_523 : memref<1x128x64xf32, #tpu.memory_space<vmem>> -> memref<128x64xf32, #tpu.memory_space<vmem>>
      %dma_start3A_525 = arith.constant 0 : i32
      %dma_start3A_526 = tpu.memref_slice %arg4[%add3A_519, %dma_start3A_525] : memref<819200x128xf32, #tpu.memory_space<hbm>> -> memref<128x64xf32, #tpu.memory_space<hbm>>
      %dma_start3A_527 = arith.constant 0 : i32
      %dma_start3A_528 = tpu.memref_slice %arg4[%add3A_519, %dma_start3A_527] : memref<819200x128xf32, #tpu.memory_space<hbm>> -> memref<128x64xf32, #tpu.memory_space<hbm>>
      %dma_start3A_529 = arith.constant 0 : i32
      %dma_start3A_530 = arith.constant 0 : i32
      %dma_start3A_531 = tpu.memref_slice %arg6[%dma_start3A_520, %dma_start3A_529, %dma_start3A_530] : memref<10x128x64xf32, #tpu.memory_space<vmem>> -> memref<1x128x64xf32, #tpu.memory_space<vmem>>
      %dma_start3A_532 = tpu.memref_squeeze %dma_start3A_531 : memref<1x128x64xf32, #tpu.memory_space<vmem>> -> memref<128x64xf32, #tpu.memory_space<vmem>>
      tpu.enqueue_dma source(%dma_start3A_532 : memref<128x64xf32, #tpu.memory_space<vmem>>) target(%dma_start3A_528 : memref<128x64xf32, #tpu.memory_space<hbm>>) target_semaphore(%arg23 : memref<!tpu.dma_semaphore, #tpu.memory_space<semaphore_mem>>)
      %add3A_533 = arith.constant 7 : i32
      %add3A_534 = arith.addi %mul3A_139, %add3A_533 : i32
      %dma_wait3A_535 = arith.constant 7 : i32
      %dma_wait3A_536 = arith.constant 0 : i32
      %dma_wait3A_537 = arith.constant 0 : i32
      %dma_wait3A_538 = tpu.memref_slice %arg6[%dma_wait3A_535, %dma_wait3A_536, %dma_wait3A_537] : memref<10x128x64xf32, #tpu.memory_space<vmem>> -> memref<1x128x64xf32, #tpu.memory_space<vmem>>
      %dma_wait3A_539 = tpu.memref_squeeze %dma_wait3A_538 : memref<1x128x64xf32, #tpu.memory_space<vmem>> -> memref<128x64xf32, #tpu.memory_space<vmem>>
      %dma_wait3A_540 = arith.constant 0 : i32
      %dma_wait3A_541 = tpu.memref_slice %arg5[%add3A_534, %dma_wait3A_540] : memref<200x128xi32, #tpu.memory_space<vmem>> -> memref<1x128xi32, #tpu.memory_space<vmem>>
      %dma_wait3A_542 = tpu.memref_squeeze %dma_wait3A_541 : memref<1x128xi32, #tpu.memory_space<vmem>> -> memref<128xi32, #tpu.memory_space<vmem>>
      %dma_wait3A_543 = arith.constant 0 : i32
      %dma_wait3A_544 = arith.constant 0 : i32
      %dma_wait3A_545 = tpu.memref_slice %arg2[%dma_wait3A_543, %dma_wait3A_544] : memref<2000000x64xf32, #tpu.memory_space<hbm>> -> memref<2000000x64xf32, #tpu.memory_space<hbm>>
      tpu.wait_indirect_dma semaphore(%arg14 : memref<!tpu.dma_semaphore, #tpu.memory_space<semaphore_mem>>) src(%dma_wait3A_545 : memref<2000000x64xf32, #tpu.memory_space<hbm>>) dst(%dma_wait3A_539 : memref<128x64xf32, #tpu.memory_space<vmem>>)
      %add3A_546 = arith.constant 7 : i32
      %add3A_547 = arith.addi %mul3A_139, %add3A_546 : i32
      %mul3A_548 = arith.constant 128 : i32
      %mul3A_549 = arith.muli %add3A_547, %mul3A_548 : i32
      %add3A_550 = arith.addi %mul3A_2, %mul3A_549 : i32
      %dma_start3A_551 = arith.constant 7 : i32
      %dma_start3A_552 = arith.constant 0 : i32
      %dma_start3A_553 = arith.constant 0 : i32
      %dma_start3A_554 = tpu.memref_slice %arg6[%dma_start3A_551, %dma_start3A_552, %dma_start3A_553] : memref<10x128x64xf32, #tpu.memory_space<vmem>> -> memref<1x128x64xf32, #tpu.memory_space<vmem>>
      %dma_start3A_555 = tpu.memref_squeeze %dma_start3A_554 : memref<1x128x64xf32, #tpu.memory_space<vmem>> -> memref<128x64xf32, #tpu.memory_space<vmem>>
      %dma_start3A_556 = arith.constant 0 : i32
      %dma_start3A_557 = tpu.memref_slice %arg4[%add3A_550, %dma_start3A_556] : memref<819200x128xf32, #tpu.memory_space<hbm>> -> memref<128x64xf32, #tpu.memory_space<hbm>>
      %dma_start3A_558 = arith.constant 0 : i32
      %dma_start3A_559 = tpu.memref_slice %arg4[%add3A_550, %dma_start3A_558] : memref<819200x128xf32, #tpu.memory_space<hbm>> -> memref<128x64xf32, #tpu.memory_space<hbm>>
      %dma_start3A_560 = arith.constant 0 : i32
      %dma_start3A_561 = arith.constant 0 : i32
      %dma_start3A_562 = tpu.memref_slice %arg6[%dma_start3A_551, %dma_start3A_560, %dma_start3A_561] : memref<10x128x64xf32, #tpu.memory_space<vmem>> -> memref<1x128x64xf32, #tpu.memory_space<vmem>>
      %dma_start3A_563 = tpu.memref_squeeze %dma_start3A_562 : memref<1x128x64xf32, #tpu.memory_space<vmem>> -> memref<128x64xf32, #tpu.memory_space<vmem>>
      tpu.enqueue_dma source(%dma_start3A_563 : memref<128x64xf32, #tpu.memory_space<vmem>>) target(%dma_start3A_559 : memref<128x64xf32, #tpu.memory_space<hbm>>) target_semaphore(%arg24 : memref<!tpu.dma_semaphore, #tpu.memory_space<semaphore_mem>>)
      %add3A_564 = arith.constant 8 : i32
      %add3A_565 = arith.addi %mul3A_139, %add3A_564 : i32
      %dma_wait3A_566 = arith.constant 8 : i32
      %dma_wait3A_567 = arith.constant 0 : i32
      %dma_wait3A_568 = arith.constant 0 : i32
      %dma_wait3A_569 = tpu.memref_slice %arg6[%dma_wait3A_566, %dma_wait3A_567, %dma_wait3A_568] : memref<10x128x64xf32, #tpu.memory_space<vmem>> -> memref<1x128x64xf32, #tpu.memory_space<vmem>>
      %dma_wait3A_570 = tpu.memref_squeeze %dma_wait3A_569 : memref<1x128x64xf32, #tpu.memory_space<vmem>> -> memref<128x64xf32, #tpu.memory_space<vmem>>
      %dma_wait3A_571 = arith.constant 0 : i32
      %dma_wait3A_572 = tpu.memref_slice %arg5[%add3A_565, %dma_wait3A_571] : memref<200x128xi32, #tpu.memory_space<vmem>> -> memref<1x128xi32, #tpu.memory_space<vmem>>
      %dma_wait3A_573 = tpu.memref_squeeze %dma_wait3A_572 : memref<1x128xi32, #tpu.memory_space<vmem>> -> memref<128xi32, #tpu.memory_space<vmem>>
      %dma_wait3A_574 = arith.constant 0 : i32
      %dma_wait3A_575 = arith.constant 0 : i32
      %dma_wait3A_576 = tpu.memref_slice %arg2[%dma_wait3A_574, %dma_wait3A_575] : memref<2000000x64xf32, #tpu.memory_space<hbm>> -> memref<2000000x64xf32, #tpu.memory_space<hbm>>
      tpu.wait_indirect_dma semaphore(%arg15 : memref<!tpu.dma_semaphore, #tpu.memory_space<semaphore_mem>>) src(%dma_wait3A_576 : memref<2000000x64xf32, #tpu.memory_space<hbm>>) dst(%dma_wait3A_570 : memref<128x64xf32, #tpu.memory_space<vmem>>)
      %add3A_577 = arith.constant 8 : i32
      %add3A_578 = arith.addi %mul3A_139, %add3A_577 : i32
      %mul3A_579 = arith.constant 128 : i32
      %mul3A_580 = arith.muli %add3A_578, %mul3A_579 : i32
      %add3A_581 = arith.addi %mul3A_2, %mul3A_580 : i32
      %dma_start3A_582 = arith.constant 8 : i32
      %dma_start3A_583 = arith.constant 0 : i32
      %dma_start3A_584 = arith.constant 0 : i32
      %dma_start3A_585 = tpu.memref_slice %arg6[%dma_start3A_582, %dma_start3A_583, %dma_start3A_584] : memref<10x128x64xf32, #tpu.memory_space<vmem>> -> memref<1x128x64xf32, #tpu.memory_space<vmem>>
      %dma_start3A_586 = tpu.memref_squeeze %dma_start3A_585 : memref<1x128x64xf32, #tpu.memory_space<vmem>> -> memref<128x64xf32, #tpu.memory_space<vmem>>
      %dma_start3A_587 = arith.constant 0 : i32
      %dma_start3A_588 = tpu.memref_slice %arg4[%add3A_581, %dma_start3A_587] : memref<819200x128xf32, #tpu.memory_space<hbm>> -> memref<128x64xf32, #tpu.memory_space<hbm>>
      %dma_start3A_589 = arith.constant 0 : i32
      %dma_start3A_590 = tpu.memref_slice %arg4[%add3A_581, %dma_start3A_589] : memref<819200x128xf32, #tpu.memory_space<hbm>> -> memref<128x64xf32, #tpu.memory_space<hbm>>
      %dma_start3A_591 = arith.constant 0 : i32
      %dma_start3A_592 = arith.constant 0 : i32
      %dma_start3A_593 = tpu.memref_slice %arg6[%dma_start3A_582, %dma_start3A_591, %dma_start3A_592] : memref<10x128x64xf32, #tpu.memory_space<vmem>> -> memref<1x128x64xf32, #tpu.memory_space<vmem>>
      %dma_start3A_594 = tpu.memref_squeeze %dma_start3A_593 : memref<1x128x64xf32, #tpu.memory_space<vmem>> -> memref<128x64xf32, #tpu.memory_space<vmem>>
      tpu.enqueue_dma source(%dma_start3A_594 : memref<128x64xf32, #tpu.memory_space<vmem>>) target(%dma_start3A_590 : memref<128x64xf32, #tpu.memory_space<hbm>>) target_semaphore(%arg25 : memref<!tpu.dma_semaphore, #tpu.memory_space<semaphore_mem>>)
      %add3A_595 = arith.constant 9 : i32
      %add3A_596 = arith.addi %mul3A_139, %add3A_595 : i32
      %dma_wait3A_597 = arith.constant 9 : i32
      %dma_wait3A_598 = arith.constant 0 : i32
      %dma_wait3A_599 = arith.constant 0 : i32
      %dma_wait3A_600 = tpu.memref_slice %arg6[%dma_wait3A_597, %dma_wait3A_598, %dma_wait3A_599] : memref<10x128x64xf32, #tpu.memory_space<vmem>> -> memref<1x128x64xf32, #tpu.memory_space<vmem>>
      %dma_wait3A_601 = tpu.memref_squeeze %dma_wait3A_600 : memref<1x128x64xf32, #tpu.memory_space<vmem>> -> memref<128x64xf32, #tpu.memory_space<vmem>>
      %dma_wait3A_602 = arith.constant 0 : i32
      %dma_wait3A_603 = tpu.memref_slice %arg5[%add3A_596, %dma_wait3A_602] : memref<200x128xi32, #tpu.memory_space<vmem>> -> memref<1x128xi32, #tpu.memory_space<vmem>>
      %dma_wait3A_604 = tpu.memref_squeeze %dma_wait3A_603 : memref<1x128xi32, #tpu.memory_space<vmem>> -> memref<128xi32, #tpu.memory_space<vmem>>
      %dma_wait3A_605 = arith.constant 0 : i32
      %dma_wait3A_606 = arith.constant 0 : i32
      %dma_wait3A_607 = tpu.memref_slice %arg2[%dma_wait3A_605, %dma_wait3A_606] : memref<2000000x64xf32, #tpu.memory_space<hbm>> -> memref<2000000x64xf32, #tpu.memory_space<hbm>>
      tpu.wait_indirect_dma semaphore(%arg16 : memref<!tpu.dma_semaphore, #tpu.memory_space<semaphore_mem>>) src(%dma_wait3A_607 : memref<2000000x64xf32, #tpu.memory_space<hbm>>) dst(%dma_wait3A_601 : memref<128x64xf32, #tpu.memory_space<vmem>>)
      %add3A_608 = arith.constant 9 : i32
      %add3A_609 = arith.addi %mul3A_139, %add3A_608 : i32
      %mul3A_610 = arith.constant 128 : i32
      %mul3A_611 = arith.muli %add3A_609, %mul3A_610 : i32
      %add3A_612 = arith.addi %mul3A_2, %mul3A_611 : i32
      %dma_start3A_613 = arith.constant 9 : i32
      %dma_start3A_614 = arith.constant 0 : i32
      %dma_start3A_615 = arith.constant 0 : i32
      %dma_start3A_616 = tpu.memref_slice %arg6[%dma_start3A_613, %dma_start3A_614, %dma_start3A_615] : memref<10x128x64xf32, #tpu.memory_space<vmem>> -> memref<1x128x64xf32, #tpu.memory_space<vmem>>
      %dma_start3A_617 = tpu.memref_squeeze %dma_start3A_616 : memref<1x128x64xf32, #tpu.memory_space<vmem>> -> memref<128x64xf32, #tpu.memory_space<vmem>>
      %dma_start3A_618 = arith.constant 0 : i32
      %dma_start3A_619 = tpu.memref_slice %arg4[%add3A_612, %dma_start3A_618] : memref<819200x128xf32, #tpu.memory_space<hbm>> -> memref<128x64xf32, #tpu.memory_space<hbm>>
      %dma_start3A_620 = arith.constant 0 : i32
      %dma_start3A_621 = tpu.memref_slice %arg4[%add3A_612, %dma_start3A_620] : memref<819200x128xf32, #tpu.memory_space<hbm>> -> memref<128x64xf32, #tpu.memory_space<hbm>>
      %dma_start3A_622 = arith.constant 0 : i32
      %dma_start3A_623 = arith.constant 0 : i32
      %dma_start3A_624 = tpu.memref_slice %arg6[%dma_start3A_613, %dma_start3A_622, %dma_start3A_623] : memref<10x128x64xf32, #tpu.memory_space<vmem>> -> memref<1x128x64xf32, #tpu.memory_space<vmem>>
      %dma_start3A_625 = tpu.memref_squeeze %dma_start3A_624 : memref<1x128x64xf32, #tpu.memory_space<vmem>> -> memref<128x64xf32, #tpu.memory_space<vmem>>
      tpu.enqueue_dma source(%dma_start3A_625 : memref<128x64xf32, #tpu.memory_space<vmem>>) target(%dma_start3A_621 : memref<128x64xf32, #tpu.memory_space<hbm>>) target_semaphore(%arg26 : memref<!tpu.dma_semaphore, #tpu.memory_space<semaphore_mem>>)
    }
    %scan3A_7 = arith.constant 20 : i32
    %dma_wait3A = arith.constant 0 : i32
    %dma_wait3A_8 = arith.constant 0 : i32
    %dma_wait3A_9 = arith.constant 0 : i32
    %dma_wait3A_10 = tpu.memref_slice %arg6[%dma_wait3A, %dma_wait3A_8, %dma_wait3A_9] : memref<10x128x64xf32, #tpu.memory_space<vmem>> -> memref<1x128x64xf32, #tpu.memory_space<vmem>>
    %dma_wait3A_11 = tpu.memref_squeeze %dma_wait3A_10 : memref<1x128x64xf32, #tpu.memory_space<vmem>> -> memref<128x64xf32, #tpu.memory_space<vmem>>
    %dma_wait3A_12 = arith.constant 0 : i32
    %dma_wait3A_13 = tpu.memref_slice %arg4[%mul3A_2, %dma_wait3A_12] : memref<819200x128xf32, #tpu.memory_space<hbm>> -> memref<128x64xf32, #tpu.memory_space<hbm>>
    %dma_wait3A_14 = arith.constant 0 : i32
    %dma_wait3A_15 = tpu.memref_slice %arg4[%mul3A_2, %dma_wait3A_14] : memref<819200x128xf32, #tpu.memory_space<hbm>> -> memref<128x64xf32, #tpu.memory_space<hbm>>
    %dma_wait3A_16 = arith.constant 0 : i32
    %dma_wait3A_17 = arith.constant 0 : i32
    %dma_wait3A_18 = tpu.memref_slice %arg6[%dma_wait3A, %dma_wait3A_16, %dma_wait3A_17] : memref<10x128x64xf32, #tpu.memory_space<vmem>> -> memref<1x128x64xf32, #tpu.memory_space<vmem>>
    %dma_wait3A_19 = tpu.memref_squeeze %dma_wait3A_18 : memref<1x128x64xf32, #tpu.memory_space<vmem>> -> memref<128x64xf32, #tpu.memory_space<vmem>>
    tpu.wait_dma2 semaphore(%arg17 : memref<!tpu.dma_semaphore, #tpu.memory_space<semaphore_mem>>) src(%dma_wait3A_19 : memref<128x64xf32, #tpu.memory_space<vmem>>) dst(%dma_wait3A_15 : memref<128x64xf32, #tpu.memory_space<hbm>>)
    %dma_wait3A_20 = arith.constant 1 : i32
    %dma_wait3A_21 = arith.constant 0 : i32
    %dma_wait3A_22 = arith.constant 0 : i32
    %dma_wait3A_23 = tpu.memref_slice %arg6[%dma_wait3A_20, %dma_wait3A_21, %dma_wait3A_22] : memref<10x128x64xf32, #tpu.memory_space<vmem>> -> memref<1x128x64xf32, #tpu.memory_space<vmem>>
    %dma_wait3A_24 = tpu.memref_squeeze %dma_wait3A_23 : memref<1x128x64xf32, #tpu.memory_space<vmem>> -> memref<128x64xf32, #tpu.memory_space<vmem>>
    %dma_wait3A_25 = arith.constant 0 : i32
    %dma_wait3A_26 = tpu.memref_slice %arg4[%mul3A_2, %dma_wait3A_25] : memref<819200x128xf32, #tpu.memory_space<hbm>> -> memref<128x64xf32, #tpu.memory_space<hbm>>
    %dma_wait3A_27 = arith.constant 0 : i32
    %dma_wait3A_28 = tpu.memref_slice %arg4[%mul3A_2, %dma_wait3A_27] : memref<819200x128xf32, #tpu.memory_space<hbm>> -> memref<128x64xf32, #tpu.memory_space<hbm>>
    %dma_wait3A_29 = arith.constant 0 : i32
    %dma_wait3A_30 = arith.constant 0 : i32
    %dma_wait3A_31 = tpu.memref_slice %arg6[%dma_wait3A_20, %dma_wait3A_29, %dma_wait3A_30] : memref<10x128x64xf32, #tpu.memory_space<vmem>> -> memref<1x128x64xf32, #tpu.memory_space<vmem>>
    %dma_wait3A_32 = tpu.memref_squeeze %dma_wait3A_31 : memref<1x128x64xf32, #tpu.memory_space<vmem>> -> memref<128x64xf32, #tpu.memory_space<vmem>>
    tpu.wait_dma2 semaphore(%arg18 : memref<!tpu.dma_semaphore, #tpu.memory_space<semaphore_mem>>) src(%dma_wait3A_32 : memref<128x64xf32, #tpu.memory_space<vmem>>) dst(%dma_wait3A_28 : memref<128x64xf32, #tpu.memory_space<hbm>>)
    %dma_wait3A_33 = arith.constant 2 : i32
    %dma_wait3A_34 = arith.constant 0 : i32
    %dma_wait3A_35 = arith.constant 0 : i32
    %dma_wait3A_36 = tpu.memref_slice %arg6[%dma_wait3A_33, %dma_wait3A_34, %dma_wait3A_35] : memref<10x128x64xf32, #tpu.memory_space<vmem>> -> memref<1x128x64xf32, #tpu.memory_space<vmem>>
    %dma_wait3A_37 = tpu.memref_squeeze %dma_wait3A_36 : memref<1x128x64xf32, #tpu.memory_space<vmem>> -> memref<128x64xf32, #tpu.memory_space<vmem>>
    %dma_wait3A_38 = arith.constant 0 : i32
    %dma_wait3A_39 = tpu.memref_slice %arg4[%mul3A_2, %dma_wait3A_38] : memref<819200x128xf32, #tpu.memory_space<hbm>> -> memref<128x64xf32, #tpu.memory_space<hbm>>
    %dma_wait3A_40 = arith.constant 0 : i32
    %dma_wait3A_41 = tpu.memref_slice %arg4[%mul3A_2, %dma_wait3A_40] : memref<819200x128xf32, #tpu.memory_space<hbm>> -> memref<128x64xf32, #tpu.memory_space<hbm>>
    %dma_wait3A_42 = arith.constant 0 : i32
    %dma_wait3A_43 = arith.constant 0 : i32
    %dma_wait3A_44 = tpu.memref_slice %arg6[%dma_wait3A_33, %dma_wait3A_42, %dma_wait3A_43] : memref<10x128x64xf32, #tpu.memory_space<vmem>> -> memref<1x128x64xf32, #tpu.memory_space<vmem>>
    %dma_wait3A_45 = tpu.memref_squeeze %dma_wait3A_44 : memref<1x128x64xf32, #tpu.memory_space<vmem>> -> memref<128x64xf32, #tpu.memory_space<vmem>>
    tpu.wait_dma2 semaphore(%arg19 : memref<!tpu.dma_semaphore, #tpu.memory_space<semaphore_mem>>) src(%dma_wait3A_45 : memref<128x64xf32, #tpu.memory_space<vmem>>) dst(%dma_wait3A_41 : memref<128x64xf32, #tpu.memory_space<hbm>>)
    %dma_wait3A_46 = arith.constant 3 : i32
    %dma_wait3A_47 = arith.constant 0 : i32
    %dma_wait3A_48 = arith.constant 0 : i32
    %dma_wait3A_49 = tpu.memref_slice %arg6[%dma_wait3A_46, %dma_wait3A_47, %dma_wait3A_48] : memref<10x128x64xf32, #tpu.memory_space<vmem>> -> memref<1x128x64xf32, #tpu.memory_space<vmem>>
    %dma_wait3A_50 = tpu.memref_squeeze %dma_wait3A_49 : memref<1x128x64xf32, #tpu.memory_space<vmem>> -> memref<128x64xf32, #tpu.memory_space<vmem>>
    %dma_wait3A_51 = arith.constant 0 : i32
    %dma_wait3A_52 = tpu.memref_slice %arg4[%mul3A_2, %dma_wait3A_51] : memref<819200x128xf32, #tpu.memory_space<hbm>> -> memref<128x64xf32, #tpu.memory_space<hbm>>
    %dma_wait3A_53 = arith.constant 0 : i32
    %dma_wait3A_54 = tpu.memref_slice %arg4[%mul3A_2, %dma_wait3A_53] : memref<819200x128xf32, #tpu.memory_space<hbm>> -> memref<128x64xf32, #tpu.memory_space<hbm>>
    %dma_wait3A_55 = arith.constant 0 : i32
    %dma_wait3A_56 = arith.constant 0 : i32
    %dma_wait3A_57 = tpu.memref_slice %arg6[%dma_wait3A_46, %dma_wait3A_55, %dma_wait3A_56] : memref<10x128x64xf32, #tpu.memory_space<vmem>> -> memref<1x128x64xf32, #tpu.memory_space<vmem>>
    %dma_wait3A_58 = tpu.memref_squeeze %dma_wait3A_57 : memref<1x128x64xf32, #tpu.memory_space<vmem>> -> memref<128x64xf32, #tpu.memory_space<vmem>>
    tpu.wait_dma2 semaphore(%arg20 : memref<!tpu.dma_semaphore, #tpu.memory_space<semaphore_mem>>) src(%dma_wait3A_58 : memref<128x64xf32, #tpu.memory_space<vmem>>) dst(%dma_wait3A_54 : memref<128x64xf32, #tpu.memory_space<hbm>>)
    %dma_wait3A_59 = arith.constant 4 : i32
    %dma_wait3A_60 = arith.constant 0 : i32
    %dma_wait3A_61 = arith.constant 0 : i32
    %dma_wait3A_62 = tpu.memref_slice %arg6[%dma_wait3A_59, %dma_wait3A_60, %dma_wait3A_61] : memref<10x128x64xf32, #tpu.memory_space<vmem>> -> memref<1x128x64xf32, #tpu.memory_space<vmem>>
    %dma_wait3A_63 = tpu.memref_squeeze %dma_wait3A_62 : memref<1x128x64xf32, #tpu.memory_space<vmem>> -> memref<128x64xf32, #tpu.memory_space<vmem>>
    %dma_wait3A_64 = arith.constant 0 : i32
    %dma_wait3A_65 = tpu.memref_slice %arg4[%mul3A_2, %dma_wait3A_64] : memref<819200x128xf32, #tpu.memory_space<hbm>> -> memref<128x64xf32, #tpu.memory_space<hbm>>
    %dma_wait3A_66 = arith.constant 0 : i32
    %dma_wait3A_67 = tpu.memref_slice %arg4[%mul3A_2, %dma_wait3A_66] : memref<819200x128xf32, #tpu.memory_space<hbm>> -> memref<128x64xf32, #tpu.memory_space<hbm>>
    %dma_wait3A_68 = arith.constant 0 : i32
    %dma_wait3A_69 = arith.constant 0 : i32
    %dma_wait3A_70 = tpu.memref_slice %arg6[%dma_wait3A_59, %dma_wait3A_68, %dma_wait3A_69] : memref<10x128x64xf32, #tpu.memory_space<vmem>> -> memref<1x128x64xf32, #tpu.memory_space<vmem>>
    %dma_wait3A_71 = tpu.memref_squeeze %dma_wait3A_70 : memref<1x128x64xf32, #tpu.memory_space<vmem>> -> memref<128x64xf32, #tpu.memory_space<vmem>>
    tpu.wait_dma2 semaphore(%arg21 : memref<!tpu.dma_semaphore, #tpu.memory_space<semaphore_mem>>) src(%dma_wait3A_71 : memref<128x64xf32, #tpu.memory_space<vmem>>) dst(%dma_wait3A_67 : memref<128x64xf32, #tpu.memory_space<hbm>>)
    %dma_wait3A_72 = arith.constant 5 : i32
    %dma_wait3A_73 = arith.constant 0 : i32
    %dma_wait3A_74 = arith.constant 0 : i32
    %dma_wait3A_75 = tpu.memref_slice %arg6[%dma_wait3A_72, %dma_wait3A_73, %dma_wait3A_74] : memref<10x128x64xf32, #tpu.memory_space<vmem>> -> memref<1x128x64xf32, #tpu.memory_space<vmem>>
    %dma_wait3A_76 = tpu.memref_squeeze %dma_wait3A_75 : memref<1x128x64xf32, #tpu.memory_space<vmem>> -> memref<128x64xf32, #tpu.memory_space<vmem>>
    %dma_wait3A_77 = arith.constant 0 : i32
    %dma_wait3A_78 = tpu.memref_slice %arg4[%mul3A_2, %dma_wait3A_77] : memref<819200x128xf32, #tpu.memory_space<hbm>> -> memref<128x64xf32, #tpu.memory_space<hbm>>
    %dma_wait3A_79 = arith.constant 0 : i32
    %dma_wait3A_80 = tpu.memref_slice %arg4[%mul3A_2, %dma_wait3A_79] : memref<819200x128xf32, #tpu.memory_space<hbm>> -> memref<128x64xf32, #tpu.memory_space<hbm>>
    %dma_wait3A_81 = arith.constant 0 : i32
    %dma_wait3A_82 = arith.constant 0 : i32
    %dma_wait3A_83 = tpu.memref_slice %arg6[%dma_wait3A_72, %dma_wait3A_81, %dma_wait3A_82] : memref<10x128x64xf32, #tpu.memory_space<vmem>> -> memref<1x128x64xf32, #tpu.memory_space<vmem>>
    %dma_wait3A_84 = tpu.memref_squeeze %dma_wait3A_83 : memref<1x128x64xf32, #tpu.memory_space<vmem>> -> memref<128x64xf32, #tpu.memory_space<vmem>>
    tpu.wait_dma2 semaphore(%arg22 : memref<!tpu.dma_semaphore, #tpu.memory_space<semaphore_mem>>) src(%dma_wait3A_84 : memref<128x64xf32, #tpu.memory_space<vmem>>) dst(%dma_wait3A_80 : memref<128x64xf32, #tpu.memory_space<hbm>>)
    %dma_wait3A_85 = arith.constant 6 : i32
    %dma_wait3A_86 = arith.constant 0 : i32
    %dma_wait3A_87 = arith.constant 0 : i32
    %dma_wait3A_88 = tpu.memref_slice %arg6[%dma_wait3A_85, %dma_wait3A_86, %dma_wait3A_87] : memref<10x128x64xf32, #tpu.memory_space<vmem>> -> memref<1x128x64xf32, #tpu.memory_space<vmem>>
    %dma_wait3A_89 = tpu.memref_squeeze %dma_wait3A_88 : memref<1x128x64xf32, #tpu.memory_space<vmem>> -> memref<128x64xf32, #tpu.memory_space<vmem>>
    %dma_wait3A_90 = arith.constant 0 : i32
    %dma_wait3A_91 = tpu.memref_slice %arg4[%mul3A_2, %dma_wait3A_90] : memref<819200x128xf32, #tpu.memory_space<hbm>> -> memref<128x64xf32, #tpu.memory_space<hbm>>
    %dma_wait3A_92 = arith.constant 0 : i32
    %dma_wait3A_93 = tpu.memref_slice %arg4[%mul3A_2, %dma_wait3A_92] : memref<819200x128xf32, #tpu.memory_space<hbm>> -> memref<128x64xf32, #tpu.memory_space<hbm>>
    %dma_wait3A_94 = arith.constant 0 : i32
    %dma_wait3A_95 = arith.constant 0 : i32
    %dma_wait3A_96 = tpu.memref_slice %arg6[%dma_wait3A_85, %dma_wait3A_94, %dma_wait3A_95] : memref<10x128x64xf32, #tpu.memory_space<vmem>> -> memref<1x128x64xf32, #tpu.memory_space<vmem>>
    %dma_wait3A_97 = tpu.memref_squeeze %dma_wait3A_96 : memref<1x128x64xf32, #tpu.memory_space<vmem>> -> memref<128x64xf32, #tpu.memory_space<vmem>>
    tpu.wait_dma2 semaphore(%arg23 : memref<!tpu.dma_semaphore, #tpu.memory_space<semaphore_mem>>) src(%dma_wait3A_97 : memref<128x64xf32, #tpu.memory_space<vmem>>) dst(%dma_wait3A_93 : memref<128x64xf32, #tpu.memory_space<hbm>>)
    %dma_wait3A_98 = arith.constant 7 : i32
    %dma_wait3A_99 = arith.constant 0 : i32
    %dma_wait3A_100 = arith.constant 0 : i32
    %dma_wait3A_101 = tpu.memref_slice %arg6[%dma_wait3A_98, %dma_wait3A_99, %dma_wait3A_100] : memref<10x128x64xf32, #tpu.memory_space<vmem>> -> memref<1x128x64xf32, #tpu.memory_space<vmem>>
    %dma_wait3A_102 = tpu.memref_squeeze %dma_wait3A_101 : memref<1x128x64xf32, #tpu.memory_space<vmem>> -> memref<128x64xf32, #tpu.memory_space<vmem>>
    %dma_wait3A_103 = arith.constant 0 : i32
    %dma_wait3A_104 = tpu.memref_slice %arg4[%mul3A_2, %dma_wait3A_103] : memref<819200x128xf32, #tpu.memory_space<hbm>> -> memref<128x64xf32, #tpu.memory_space<hbm>>
    %dma_wait3A_105 = arith.constant 0 : i32
    %dma_wait3A_106 = tpu.memref_slice %arg4[%mul3A_2, %dma_wait3A_105] : memref<819200x128xf32, #tpu.memory_space<hbm>> -> memref<128x64xf32, #tpu.memory_space<hbm>>
    %dma_wait3A_107 = arith.constant 0 : i32
    %dma_wait3A_108 = arith.constant 0 : i32
    %dma_wait3A_109 = tpu.memref_slice %arg6[%dma_wait3A_98, %dma_wait3A_107, %dma_wait3A_108] : memref<10x128x64xf32, #tpu.memory_space<vmem>> -> memref<1x128x64xf32, #tpu.memory_space<vmem>>
    %dma_wait3A_110 = tpu.memref_squeeze %dma_wait3A_109 : memref<1x128x64xf32, #tpu.memory_space<vmem>> -> memref<128x64xf32, #tpu.memory_space<vmem>>
    tpu.wait_dma2 semaphore(%arg24 : memref<!tpu.dma_semaphore, #tpu.memory_space<semaphore_mem>>) src(%dma_wait3A_110 : memref<128x64xf32, #tpu.memory_space<vmem>>) dst(%dma_wait3A_106 : memref<128x64xf32, #tpu.memory_space<hbm>>)
    %dma_wait3A_111 = arith.constant 8 : i32
    %dma_wait3A_112 = arith.constant 0 : i32
    %dma_wait3A_113 = arith.constant 0 : i32
    %dma_wait3A_114 = tpu.memref_slice %arg6[%dma_wait3A_111, %dma_wait3A_112, %dma_wait3A_113] : memref<10x128x64xf32, #tpu.memory_space<vmem>> -> memref<1x128x64xf32, #tpu.memory_space<vmem>>
    %dma_wait3A_115 = tpu.memref_squeeze %dma_wait3A_114 : memref<1x128x64xf32, #tpu.memory_space<vmem>> -> memref<128x64xf32, #tpu.memory_space<vmem>>
    %dma_wait3A_116 = arith.constant 0 : i32
    %dma_wait3A_117 = tpu.memref_slice %arg4[%mul3A_2, %dma_wait3A_116] : memref<819200x128xf32, #tpu.memory_space<hbm>> -> memref<128x64xf32, #tpu.memory_space<hbm>>
    %dma_wait3A_118 = arith.constant 0 : i32
    %dma_wait3A_119 = tpu.memref_slice %arg4[%mul3A_2, %dma_wait3A_118] : memref<819200x128xf32, #tpu.memory_space<hbm>> -> memref<128x64xf32, #tpu.memory_space<hbm>>
    %dma_wait3A_120 = arith.constant 0 : i32
    %dma_wait3A_121 = arith.constant 0 : i32
    %dma_wait3A_122 = tpu.memref_slice %arg6[%dma_wait3A_111, %dma_wait3A_120, %dma_wait3A_121] : memref<10x128x64xf32, #tpu.memory_space<vmem>> -> memref<1x128x64xf32, #tpu.memory_space<vmem>>
    %dma_wait3A_123 = tpu.memref_squeeze %dma_wait3A_122 : memref<1x128x64xf32, #tpu.memory_space<vmem>> -> memref<128x64xf32, #tpu.memory_space<vmem>>
    tpu.wait_dma2 semaphore(%arg25 : memref<!tpu.dma_semaphore, #tpu.memory_space<semaphore_mem>>) src(%dma_wait3A_123 : memref<128x64xf32, #tpu.memory_space<vmem>>) dst(%dma_wait3A_119 : memref<128x64xf32, #tpu.memory_space<hbm>>)
    %dma_wait3A_124 = arith.constant 9 : i32
    %dma_wait3A_125 = arith.constant 0 : i32
    %dma_wait3A_126 = arith.constant 0 : i32
    %dma_wait3A_127 = tpu.memref_slice %arg6[%dma_wait3A_124, %dma_wait3A_125, %dma_wait3A_126] : memref<10x128x64xf32, #tpu.memory_space<vmem>> -> memref<1x128x64xf32, #tpu.memory_space<vmem>>
    %dma_wait3A_128 = tpu.memref_squeeze %dma_wait3A_127 : memref<1x128x64xf32, #tpu.memory_space<vmem>> -> memref<128x64xf32, #tpu.memory_space<vmem>>
    %dma_wait3A_129 = arith.constant 0 : i32
    %dma_wait3A_130 = tpu.memref_slice %arg4[%mul3A_2, %dma_wait3A_129] : memref<819200x128xf32, #tpu.memory_space<hbm>> -> memref<128x64xf32, #tpu.memory_space<hbm>>
    %dma_wait3A_131 = arith.constant 0 : i32
    %dma_wait3A_132 = tpu.memref_slice %arg4[%mul3A_2, %dma_wait3A_131] : memref<819200x128xf32, #tpu.memory_space<hbm>> -> memref<128x64xf32, #tpu.memory_space<hbm>>
    %dma_wait3A_133 = arith.constant 0 : i32
    %dma_wait3A_134 = arith.constant 0 : i32
    %dma_wait3A_135 = tpu.memref_slice %arg6[%dma_wait3A_124, %dma_wait3A_133, %dma_wait3A_134] : memref<10x128x64xf32, #tpu.memory_space<vmem>> -> memref<1x128x64xf32, #tpu.memory_space<vmem>>
    %dma_wait3A_136 = tpu.memref_squeeze %dma_wait3A_135 : memref<1x128x64xf32, #tpu.memory_space<vmem>> -> memref<128x64xf32, #tpu.memory_space<vmem>>
    tpu.wait_dma2 semaphore(%arg26 : memref<!tpu.dma_semaphore, #tpu.memory_space<semaphore_mem>>) src(%dma_wait3A_136 : memref<128x64xf32, #tpu.memory_space<vmem>>) dst(%dma_wait3A_132 : memref<128x64xf32, #tpu.memory_space<hbm>>)
    return
  }
}

</mosaic_0001>

<sc_bundles>
// kernel: _sc_gather.3.cloned.1.call-start
scs
__scs_entry_jumppad:
0x0: {  	(pc) =	sbr.rel $0x88, $3  }
0x1: {  	(tag) =	ssettag $0x0;
	lr =	simm.s32 $0x1  }
0x2: {  	[smem:$0x3F9F] =	sst lr;
	_ =	strace $0xD0000000  }
0x3: {  	_ = 	snop  }
0x4: {  	_ = 	snop  }
0x5: {  	_ = 	snop  }
0x6: {  	_ = 	snop  }
0x7: {  	_ = 	snop  }
__scs_overlays_trampoline_lowered:
0x8: {  	[smem:$0x3FAE] =	sst s0  }
0x9: {  	[smem:$0x3FAF] =	sst s1  }
0xa: {  	[smem:$0x3FB0] =	sst s2  }
0xb: {  	[smem:$0x3FB1] =	sst s3  }
0xc: {  	[smem:$0x3FB2] =	sst s4  }
0xd: {  	[smem:$0x3FB3] =	sst s5  }
0xe: {  	[smem:$0x3FB4] =	sst s6  }
0xf: {  	[smem:$0x3FB5] =	sst s7  }
0x10: {  	[smem:$0x3FB6] =	sst s8  }
0x11: {  	[smem:$0x3FB7] =	sst s9;
	s0 =	simm.s32 @!p0 $0x0  }
0x12: {  	s1 =	sld [smem:$0x3F9D];
	s0 =	simm.s32 @p0 $0x1  }
0x13: {  	[smem:$0x3FB8] =	sst s0;
	s0 =	simm.s32 @!p1 $0x0  }
0x14: {  	s2 =	sld [smem:$0x3F9C];
	s0 =	simm.s32 @p1 $0x1  }
0x15: {  	[smem:$0x3FB9] =	sst s0;
	s0 =	simm.s32 @!p2 $0x0  }
0x16: {  	s3 =	sld [smem:$0x3FDB];
	s0 =	simm.s32 @p2 $0x1  }
0x17: {  	s4 =	simm.s32 $0x1BF5;
	[smem:$0x3FBB] =	sst s0  }
0x18: {  	s0 =	sld [smem:$0x3F9E];
	_ =	swait.ge [sflag:s4], $0x0  }
0x19: {  	s7 =	sld [smem:$0x3F9F]  }
0x1a: {  	s8 =	sadd.s32 $0xFFFFE003, lr  }
0x1b: {  	s9 =	sadd.s32 $0xFFFFFEF7, lr;
	s5 =	simm.s32 $0xFFFFFFFF;
	p2 =	slt.u32 s8, $0xFFFFF086  }
0x1c: {  	p1 =	slt.u32 s9, $0xF7A;
	s5 =	simm.s32 @!p2 $0x0  }
0x1d: {  	s5 =	simm.s32 @p1 $0x1;
	p0 =	seq.s32 s7, s2  }
0x1e: {  	s7 =	smul.u32 @!p0 $0xF7A, s2;
	p2 =	seq.s32 @!p0 s5, $0x0  }
0x1f: {  	s9 =	smul.u32 $0xF7A, s1;
	s8 =	simm.s32 @!p0 $0x1BF5;
	p2 =	por !p2, p0  }
0x20: {  	[sflag:s8] =	ssyncset.s32 @!p0 $0xFFFFF086;
	s6 =	sadd.s32 @!p0 s3, s7;
	s7 =	simm.s32 @!p0 $0x108  }
0x21: {  	s3 =	sadd.s32 s3, s9;
	s6 =	sadd.s32 @!p0 $0x88, s6;
	s7 =	simm.s32 @p2 $0x1082  }
0x22: {  	[simem:s7], [sflag:s8] =	dma.local @!p0 [hbm:s6], $0xF7A  }
0x23: {  	s9 =	sor.u32 $0xD0000000, s2;
	s6 =	simm.s32 $0x108;
	_ =	swait.ge @!p0 [sflag:s8], $0x0  }
0x24: {  	s3 =	sadd.s32 $0x88, s3;
	s6 =	simm.s32 @!p1 $0x1082;
	[sflag:s4] =	ssyncset.s32 $0xFFFFF086  }
0x25: {  	[simem:s6], [sflag:s4] =	dma.local [hbm:s3], $0xF7A  }
0x26: {  	[smem:$0x3F9F] =	sst s1;
	(tag) =	ssettag s2;
	_ =	strace s9  }
0x27: {  	s1 =	sld [smem:$0x3FAF]  }
0x28: {  	s2 =	sld [smem:$0x3FB0]  }
0x29: {  	s4 =	sld [smem:$0x3FB2]  }
0x2a: {  	p0 =	seq.s32 s5, $0x0;
	s5 =	sld [smem:$0x3FB3]  }
0x2b: {  	s6 =	sld [smem:$0x3FB4]  }
0x2c: {  	s7 =	sld [smem:$0x3FB5]  }
0x2d: {  	s3 =	simm.s32 $0x108;
	s8 =	sld [smem:$0x3FB6]  }
0x2e: {  	s3 =	simm.s32 @!p0 $0x1082;
	s9 =	sld [smem:$0x3FB7]  }
0x2f: {  	lr =	sadd.s32 s0, s3;
	s0 =	sld [smem:$0x3FAE]  }
0x30: {  	s3 =	sld [smem:$0x3FB1]  }
0x31: {  	[smem:$0x3FBA] =	sst s10  }
0x32: {  	s10 =	sld [smem:$0x3FB8];
	_ =	sdelay $0x3  }
0x33: {  	p0 =	seq.s32 s10, $0x1;
	s10 =	sld [smem:$0x3FBA];
	_ =	sdelay $0x3  }
0x34: {  	[smem:$0x3FBA] =	sst s10  }
0x35: {  	s10 =	sld [smem:$0x3FB9];
	_ =	sdelay $0x3  }
0x36: {  	p1 =	seq.s32 s10, $0x1;
	s10 =	sld [smem:$0x3FBA];
	_ =	sdelay $0x3  }
0x37: {  	[smem:$0x3FBA] =	sst s10  }
0x38: {  	s10 =	sld [smem:$0x3FBB]  }
0x39: {  	_ = 	snop;
	(pc) =	sbr.ind lr, $3  }
0x3a: {  	_ = 	snop  }
0x3b: {  	_ = 	snop  }
0x3c: {  	p2 =	seq.s32 s10, $0x1;
	s10 =	sld [smem:$0x3FBA]  }
0x3d: {  	_ =	shalt  }
0x3e: {  	_ =	shalt  }
0x3f: {  	_ =	shalt  }
0x40: {  	_ =	shalt  }
0x41: {  	_ =	shalt  }
0x42: {  	_ =	shalt  }
0x43: {  	_ =	shalt  }
0x44: {  	_ =	shalt  }
0x45: {  	_ =	shalt  }
0x46: {  	_ =	shalt  }
0x47: {  	_ =	shalt  }
0x48: {  	_ =	shalt  }
0x49: {  	_ =	shalt  }
0x4a: {  	_ =	shalt  }
0x4b: {  	_ =	shalt  }
0x4c: {  	_ =	shalt  }
0x4d: {  	_ =	shalt  }
0x4e: {  	_ =	shalt  }
0x4f: {  	_ =	shalt  }
0x50: {  	_ =	shalt  }
0x51: {  	_ =	shalt  }
0x52: {  	_ =	shalt  }
0x53: {  	_ =	shalt  }
0x54: {  	_ =	shalt  }
0x55: {  	_ =	shalt  }
0x56: {  	_ =	shalt  }
0x57: {  	_ =	shalt  }
0x58: {  	_ =	shalt  }
0x59: {  	_ =	shalt  }
0x5a: {  	_ =	shalt  }
0x5b: {  	_ =	shalt  }
0x5c: {  	_ =	shalt  }
0x5d: {  	_ =	shalt  }
0x5e: {  	_ =	shalt  }
0x5f: {  	_ =	shalt  }
0x60: {  	_ =	shalt  }
0x61: {  	_ =	shalt  }
0x62: {  	_ =	shalt  }
0x63: {  	_ =	shalt  }
0x64: {  	_ =	shalt  }
0x65: {  	_ =	shalt  }
0x66: {  	_ =	shalt  }
0x67: {  	_ =	shalt  }
0x68: {  	_ =	shalt  }
0x69: {  	_ =	shalt  }
0x6a: {  	_ =	shalt  }
0x6b: {  	_ =	shalt  }
0x6c: {  	_ =	shalt  }
0x6d: {  	_ =	shalt  }
0x6e: {  	_ =	shalt  }
0x6f: {  	_ =	shalt  }
0x70: {  	_ =	shalt  }
0x71: {  	_ =	shalt  }
0x72: {  	_ =	shalt  }
0x73: {  	_ =	shalt  }
0x74: {  	_ =	shalt  }
0x75: {  	_ =	shalt  }
0x76: {  	_ =	shalt  }
0x77: {  	_ =	shalt  }
0x78: {  	_ =	shalt  }
0x79: {  	_ =	shalt  }
0x7a: {  	_ =	shalt  }
0x7b: {  	_ =	shalt  }
0x7c: {  	_ =	shalt  }
0x7d: {  	_ =	shalt  }
0x7e: {  	_ =	shalt  }
0x7f: {  	_ =	shalt  }
0x80: {  	_ =	shalt  }
0x81: {  	_ =	shalt  }
0x82: {  	_ =	shalt  }
0x83: {  	_ =	shalt  }
0x84: {  	_ =	shalt  }
0x85: {  	_ =	shalt  }
0x86: {  	_ =	shalt  }
0x87: {  	_ =	shalt  }
.Lfunc_end0:
.L_simem_size_0:
called_computation_lowered:
.L_overlay_start_0:
0x88: {  	s2 =	sld [smem:$0x3FD9]  }
0x89: {  	s3 =	sld [smem:$0x3FFE];
	_ =	sdelay $0x1  }
0x8a: {  	s1 =	srdreg.scid  }
0x8b: {  	s0 =	sand.u32 $0x1, s1  }
0x8c: {  	s18 =	sshll.u32 s0, $0xA;
	s2 =	sadd.s32 s3, s2  }
0x8d: {  	s2 =	sadd.s32 s2, s18  }
0x8e: {  	[smem:$0x3FC6] =	sst s2  }
0x8f: {  	_ = 	snop  }
0x90: {  	s2 =	sld [smem:$0x3FC9]  }
0x91: {  	s19 =	sld [smem:$0x3FC8]  }
0x92: {  	s4 =	sld [smem:$0x3FD0];
	(tm) =	ssettm $0x1  }
0x93: {  	s5 =	sld [smem:$0x3FFB];
	_ =	sdelay $0x3  }
0x94: {  	_ =	strace s5  }
0x95: {  	s5 =	sld [smem:$0x3FFC];
	_ =	sdelay $0x3  }
0x96: {  	_ =	strace s5  }
0x97: {  	s5 =	sld [smem:$0x3FFD];
	_ =	sdelay $0x3  }
0x98: {  	_ =	strace s5  }
0x99: {  	_ =	strace $0x8FFFFFFF  }
0x9a: {  	s20 =	sld [smem:$0x3FDB];
	_ =	sdelay $0x1  }
0x9b: {  	s6 =	simm.s32 $_scs_section_size  }
0x9c: {  	s7 =	simm.s32 $_size__tile_overlayer_lowered;
	s8 =	simm.s32 $_tile_overlayer_lowered  }
0x9d: {  	s23 =	simm.s32 $0x1BFF;
	s22 =	sshll.u32 s8, $0x1;
	s5 =	sadd.s32 s6, s20  }
0x9e: {  	s9 =	simm.s32 $0x0;
	s21 =	sshll.u32 s7, $0x1;
	s7 =	sadd.s32 s22, s5  }
0x9f: {  	[timem:s9], [sflag:s23] =	dma.local [hbm:s7], s21  }
0xa0: {  	_ =	swait.ge [sflag:s23], s21  }
0xa1: {  	s6 =	ssub.s32 $0x0, s21;
	[sflag:s23] =	ssyncset.done $0x0  }
0xa2: {  	[sflag:s23] =	ssyncadd.s32 s6;
	_ =	sdelay $0x1  }
0xa3: {  	s24 =	simm.s32 $0x1B8B  }
0xa4: {  	_ =	swait.ge [sflag:s24], $0x1  }
0xa5: {  	[sflag:s24] =	ssyncset.done $0x0  }
0xa6: {  	s25 =	simm.s32 $0x1B8E;
	[sflag:s24] =	ssyncadd.s32 $0xFFFFFFFF  }
0xa7: {  	s26 =	simm.s32 $execute0_lowered;
	[smem:$0x3FD2] =	sst s25  }
0xa8: {  	s6 =	sshll.u32 s26, $0x1;
	_ =	strace $0x80000046;
	[dreg:$0x1] =	wrdreg $0xFFFFFFFF  }
0xa9: {  	s28 =	simm.s32 $_size_execute0_lowered;
	s5 =	sadd.s32 s5, s6;
	[dreg:$0x0] =	wrdreg $0x0  }
0xaa: {  	s6 =	sshll.u32 s28, $0x1;
	[dreg:$0x2] =	wrdreg s5  }
0xab: {  	[dreg:$0x3] =	wrdreg s6  }
0xac: {  	[dreg:$0x4] =	wrdreg $0xC0  }
0xad: {  	_ =	task [dreg:s9], $0x5FFFF  }
0xae: {  	[dreg:$0x1] =	wrdreg $0xFFFFFFFF  }
0xaf: {  	[dreg:$0x0] =	wrdreg $0x60  }
0xb0: {  	[dreg:$0x2] =	wrdreg s2  }
0xb1: {  	[dreg:$0x3] =	wrdreg s19  }
0xb2: {  	[dreg:$0x4] =	wrdreg s4  }
0xb3: {  	[dreg:$0x5] =	wrdreg $0x9  }
0xb4: {  	_ =	task.clear_ibuf [dreg:s9], $0x6FFFF;
	_ =	strace $0x90000046  }
0xb5: {  	s29 =	simm.s32 $0x9;
	_ =	strace $0x80000048  }
0xb6: {  	_ =	swait.ge [sflag:s29], $0x1  }
0xb7: {  	[sflag:s29] =	ssyncadd.s32 $0xFFFFFFFF  }
0xb8: {  	_ =	strace $0x90000048  }
0xb9: {  	_ =	sfence  }
0xba: {  	s30 =	sld [smem:$0x0];
	_ =	sdelay $0x2  }
0xbb: {  	s31 =	sshll.u32 s1, $0xD;
	s1 =	sshrl.u32 s1, $0x2  }
0xbc: {  	s3 =	sand.u32 $0x4000, s31;
	s1 =	sadd.s32 s1, s30  }
0xbd: {  	s0 =	sor.u32 s3, s0;
	s1 =	sshll.u32 s1, $0x11  }
0xbe: {  	s0 =	sor.u32 s1, s0  }
0xbf: {  	s0 =	sadd.s32 $0x8F2B, s0  }
0xc0: {  	[sflag:s0] =	ssyncadd.remote.s32 $0x1  }
0xc1: {  	_ =	sfence.sel $0xFFFF  }
0xc2: {  	[dreg:$0x0] =	wrdreg $0xFFFFFFFF;
	(pc) =	sbr.abs _section_cstart, $3  }
0xc3: {  	[dreg:$0x1] =	wrdreg $0xFFFFFFFF  }
0xc4: {  	_ =	task.clear_ibuf [dreg:s9], $0x2FFFF;
	_ =	strace $0x9FFFFFFF  }
0xc5: {  	(tm) =	ssettm $0x7FFFFFFF  }
tec
execute0_lowered:
.L_overlay_start_1:
0x0: {  	(tag) =	ssettag $0x1  }
0x1: {  	s1 =	rddreg [dreg:$0x0]  }
0x2: {  	s0 =	rddreg [dreg:$0x1];
	s2 =	srdreg.scid  }
0x3: {  	s4 =	stileid.u32;
	s3 =	rddreg [dreg:$0x2]  }
0x4: {  	s6 =	simm.s32 $0x0;
	s9 =	simm.s32 $0xA400;
	s10 =	simm.s32 $0xC400  }
0x5: {  	s11 =	simm.s32 $0xE400;
	s12 =	simm.s32 $0x10400;
	s13 =	simm.s32 $0x12400  }
0x6: {  	s14 =	simm.s32 $0x14400;
	s17 =	simm.s32 $0x16400;
	s18 =	simm.s32 $0x80  }
0x7: {  	s21 =	simm.s32 $0x40;
	s2 =	sand.u32 $0x1, s2;
	s4 =	sshll.u32 s4, $0x1  }
0x8: {  	s29 =	simm.s32 $0x8;
	s30 =	simm.s32 $0x9;
	s4 =	sor.u32 s2, s4  }
0x9: {  	s31 =	simm.s32 $0xA;
	s2 =	ssub.s32 $0x2, s2;
	s5 =	smul.u32 $0x6400, s4  }
.Ltmp0:
0xa: {  	s7 =	simm.s32 $0x0;
	s24 =	sshrl.u32 s2, $0x1;
	(pc) =	sbr.rel .LBB2_1-.Ltmp0, $4  }
0xb: {  	s28 =	simm.s32 $0x1;
	[smem:$0x7FF] =	sst s6;
	s2 =	ssub.s32 s2, s24  }
0xc: {  	s6 =	simm.s32 $0x8400;
	s25 =	sshrl.u32 s5, $0x3;
	s26 =	smax.u32 s2, $0x1  }
0xd: {  	_ =	strace $0x80000047;
	s0 =	sadd.s32 s0, s25;
	[dreg:$0x5] =	wrdreg s26  }
0xe: {  	s4 =	simm.s32 $0x6400;
	s26 =	simm.s32 $0x18400;
	[dreg:$0x4] =	wrdreg s0  }
.LBB2_6:
0xf: {  	s0 =	simm.s32 $0xB  }
0x10: {  	_ =	swait.ge [sflag:s0], $0x2000  }
0x11: {  	[sflag:s0] =	ssyncset.done $0x0  }
0x12: {  	s8 =	simm.s32 $0xC;
	[sflag:s0] =	ssyncadd.s32 $0xFFFFE000  }
0x13: {  	_ =	swait.ge [sflag:s8], $0x2000  }
0x14: {  	[sflag:s8] =	ssyncset.done $0x0  }
0x15: {  	s15 =	simm.s32 $0xD;
	[sflag:s8] =	ssyncadd.s32 $0xFFFFE000  }
0x16: {  	_ =	swait.ge [sflag:s15], $0x2000  }
0x17: {  	[sflag:s15] =	ssyncset.done $0x0  }
0x18: {  	s16 =	simm.s32 $0xE;
	[sflag:s15] =	ssyncadd.s32 $0xFFFFE000  }
0x19: {  	_ =	swait.ge [sflag:s16], $0x2000  }
0x1a: {  	[sflag:s16] =	ssyncset.done $0x0  }
0x1b: {  	s19 =	simm.s32 $0xF;
	[sflag:s16] =	ssyncadd.s32 $0xFFFFE000  }
0x1c: {  	_ =	swait.ge [sflag:s19], $0x2000  }
0x1d: {  	[sflag:s19] =	ssyncset.done $0x0  }
0x1e: {  	s20 =	simm.s32 $0x10;
	[sflag:s19] =	ssyncadd.s32 $0xFFFFE000  }
0x1f: {  	_ =	swait.ge [sflag:s20], $0x2000  }
0x20: {  	[sflag:s20] =	ssyncset.done $0x0  }
0x21: {  	s22 =	simm.s32 $0x11;
	[sflag:s20] =	ssyncadd.s32 $0xFFFFE000  }
0x22: {  	_ =	swait.ge [sflag:s22], $0x2000  }
0x23: {  	[sflag:s22] =	ssyncset.done $0x0  }
0x24: {  	s23 =	simm.s32 $0x12;
	[sflag:s22] =	ssyncadd.s32 $0xFFFFE000  }
0x25: {  	_ =	swait.ge [sflag:s23], $0x2000  }
0x26: {  	[sflag:s23] =	ssyncset.done $0x0  }
0x27: {  	s24 =	simm.s32 $0x13;
	[sflag:s23] =	ssyncadd.s32 $0xFFFFE000  }
0x28: {  	_ =	swait.ge [sflag:s24], $0x2000  }
0x29: {  	[sflag:s24] =	ssyncset.done $0x0  }
0x2a: {  	s2 =	simm.s32 $0x14;
	[sflag:s24] =	ssyncadd.s32 $0xFFFFE000  }
0x2b: {  	_ =	swait.ge [sflag:s2], $0x2000  }
0x2c: {  	s7 =	rddreg [dreg:$0x6]  }
0x2d: {  	s25 =	rddreg [dreg:$0x5];
	s7 =	sadd.s32 $0x1, s7  }
0x2e: {  	p0 =	sne.s32 s7, s25  }
.Ltmp1:
0x2f: {  	_ = 	snop;
	(pc) =	sbr.rel @!p0 .LBB2_7-.Ltmp1, $3  }
0x30: {  	_ =	sdelay $0x1  }
0x31: {  	[sflag:s2] =	ssyncset.done $0x0  }
0x32: {  	[sflag:s2] =	ssyncadd.s32 $0xFFFFE000  }
.LBB2_1:
0x33: {  	[dreg:$0x6] =	wrdreg s7;
	s0 =	simm.s32 $0x0  }
.Ltmp2:
0x34: {  	s2 =	rddreg [dreg:$0x4];
	s25 =	simm.s32 $0x15;
	(pc) =	sbr.rel .LBB2_2-.Ltmp2, $4  }
0x35: {  	[tilespmem:s0], [sflag:$0x15] =	stream.linear.gather [hbm4b:s2+s0], $0x6400, $0x38;
	[tilespmem:$0x1A400] =	vst v63  }
0x36: {  	_ =	swait.ge [sflag:s25], $0x6400  }
0x37: {  	[sflag:s25] =	ssyncset.done $0x0  }
0x38: {  	s7 =	simm.s32 $0x400;
	s8 =	simm.s32 $0x0;
	[sflag:s25] =	ssyncadd.s32 $0xFFFF9C00  }
.LBB2_4:
0x39: {  	s0 =	simm.s32 $0xB  }
0x3a: {  	_ =	swait.ge [sflag:s0], $0x2000  }
0x3b: {  	[sflag:s0] =	ssyncset.done $0x0  }
0x3c: {  	s22 =	simm.s32 $0xC;
	[sflag:s0] =	ssyncadd.s32 $0xFFFFE000  }
0x3d: {  	[tilespmem:s4], [sflag:$0x1] =	stream.indirect.gather [hbm4b:s1+s18], $0x40, s8, s18, $0xb8;
	[tilespmem:$0x1A400] =	vst v63  }
0x3e: {  	_ =	swait.ge [sflag:s22], $0x2000  }
0x3f: {  	[sflag:s22] =	ssyncset.done $0x0  }
0x40: {  	s23 =	sadd.s32 $0x80, s8;
	s24 =	simm.s32 $0xD;
	[sflag:s22] =	ssyncadd.s32 $0xFFFFE000  }
0x41: {  	[tilespmem:s6], [sflag:$0x2] =	stream.indirect.gather [hbm4b:s1+s18], $0x40, s23, s18, $0xb8;
	[tilespmem:$0x1A400] =	vst v63  }
0x42: {  	_ =	swait.ge [sflag:s24], $0x2000  }
0x43: {  	[sflag:s24] =	ssyncset.done $0x0  }
0x44: {  	s25 =	sadd.s32 $0x100, s8;
	s2 =	simm.s32 $0xE;
	[sflag:s24] =	ssyncadd.s32 $0xFFFFE000  }
0x45: {  	[tilespmem:s9], [sflag:$0x3] =	stream.indirect.gather [hbm4b:s1+s18], $0x40, s25, s18, $0xb8;
	[tilespmem:$0x1A400] =	vst v63  }
0x46: {  	_ =	swait.ge [sflag:s2], $0x2000  }
0x47: {  	[sflag:s2] =	ssyncset.done $0x0  }
0x48: {  	s4 =	sadd.s32 $0x180, s8;
	s6 =	simm.s32 $0xF;
	[sflag:s2] =	ssyncadd.s32 $0xFFFFE000  }
0x49: {  	[tilespmem:s10], [sflag:$0x4] =	stream.indirect.gather [hbm4b:s1+s18], $0x40, s4, s18, $0xb8;
	[tilespmem:$0x1A400] =	vst v63  }
0x4a: {  	_ =	swait.ge [sflag:s6], $0x2000  }
0x4b: {  	[sflag:s6] =	ssyncset.done $0x0  }
0x4c: {  	s9 =	sadd.s32 $0x200, s8;
	s10 =	simm.s32 $0x10;
	[sflag:s6] =	ssyncadd.s32 $0xFFFFE000  }
0x4d: {  	[tilespmem:s11], [sflag:$0x5] =	stream.indirect.gather [hbm4b:s1+s18], $0x40, s9, s18, $0xb8;
	[tilespmem:$0x1A400] =	vst v63  }
0x4e: {  	_ =	swait.ge [sflag:s10], $0x2000  }
0x4f: {  	[sflag:s10] =	ssyncset.done $0x0  }
0x50: {  	s15 =	simm.s32 $0x11;
	s11 =	sadd.s32 $0x280, s8;
	[sflag:s10] =	ssyncadd.s32 $0xFFFFE000  }
0x51: {  	[tilespmem:s12], [sflag:$0x6] =	stream.indirect.gather [hbm4b:s1+s18], $0x40, s11, s18, $0xb8;
	[tilespmem:$0x1A400] =	vst v63  }
0x52: {  	s16 =	sadd.s32 $0x300, s8;
	s19 =	simm.s32 $0x12;
	_ =	swait.ge [sflag:s15], $0x2000  }
0x53: {  	s20 =	sadd.s32 $0x380, s8;
	s0 =	smov.u32 s7;
	[sflag:s15] =	ssyncset.done $0x0  }
0x54: {  	s22 =	simm.s32 $0x13;
	s23 =	simm.s32 $0x12400;
	[sflag:s15] =	ssyncadd.s32 $0xFFFFE000  }
0x55: {  	[tilespmem:s13], [sflag:$0x7] =	stream.indirect.gather [hbm4b:s1+s18], $0x40, s16, s18, $0xb8;
	[tilespmem:$0x1A400] =	vst v63  }
0x56: {  	s24 =	simm.s32 $0x14400;
	s25 =	sadd.s32 $0x400, s8;
	_ =	swait.ge [sflag:s19], $0x2000  }
0x57: {  	s2 =	simm.s32 $0x14;
	s4 =	sadd.s32 $0xFFFFFF80, s7;
	[sflag:s19] =	ssyncset.done $0x0  }
0x58: {  	s6 =	sadd.s32 $0xFFFFFF00, s7;
	s9 =	sadd.s32 $0xFFFFFE80, s7;
	[sflag:s19] =	ssyncadd.s32 $0xFFFFE000  }
0x59: {  	[tilespmem:s14], [sflag:$0x8] =	stream.indirect.gather [hbm4b:s1+s18], $0x40, s20, s18, $0xb8;
	[tilespmem:$0x1A400] =	vst v63  }
0x5a: {  	s10 =	sadd.s32 $0xFFFFFE00, s7;
	s12 =	sadd.s32 $0xFFFFFD00, s7;
	_ =	swait.ge [sflag:s22], $0x2000  }
0x5b: {  	s11 =	sadd.s32 $0xFFFFFD80, s7;
	s15 =	simm.s32 $0x6400;
	[sflag:s22] =	ssyncset.done $0x0  }
0x5c: {  	s16 =	simm.s32 $0x8400;
	s13 =	sadd.s32 $0xFFFFFC80, s7;
	[sflag:s22] =	ssyncadd.s32 $0xFFFFE000  }
0x5d: {  	[tilespmem:s17], [sflag:$0x9] =	stream.indirect.gather [hbm4b:s1+s18], $0x40, s25, s18, $0xb8;
	[tilespmem:$0x1A400] =	vst v63  }
0x5e: {  	s19 =	simm.s32 $0xC400;
	s14 =	sadd.s32 $0xFFFFFC00, s7;
	_ =	swait.ge [sflag:s2], $0x2000  }
0x5f: {  	s20 =	simm.s32 $0xE400;
	s22 =	simm.s32 $0x10400;
	[sflag:s2] =	ssyncset.done $0x0  }
0x60: {  	s25 =	simm.s32 $0x16400;
	s17 =	simm.s32 $0xA400;
	[sflag:s2] =	ssyncadd.s32 $0xFFFFE000  }
.LBB2_5:
0x61: {  	s2 =	sadd.s32 $0x480, s14;
	s14 =	sadd.s32 s5, s14  }
0x62: {  	[tilespmem:s26], [sflag:$0xA] =	stream.indirect.gather [hbm4b:s1+s18], $0x40, s2, s18, $0xb8;
	[tilespmem:$0x1A400] =	vst v63  }
0x63: {  	s14 =	sshll.u32 s14, $0x4;
	_ =	swait.ge [sflag:s28], $0x2000  }
0x64: {  	s14 =	sand.u32 $0x1FFFF000, s14;
	[sflag:s28] =	ssyncset.done $0x0  }
0x65: {  	s14 =	sadd.s32 s3, s14;
	[sflag:s28] =	ssyncadd.s32 $0xFFFFE000  }
0x66: {  	[hbm4b:s14+s21] =	stream.strided.scatter [tilespmem:s15], [sflag:$0xB], $0x2000, s18, s21, $0x38;
	[tilespmem:$0x1A400] =	vst v63  }
0x67: {  	s13 =	sadd.s32 s5, s13;
	s15 =	simm.s32 $0x2  }
0x68: {  	s13 =	sshll.u32 s13, $0x4;
	_ =	swait.ge [sflag:s15], $0x2000  }
0x69: {  	s13 =	sand.u32 $0x1FFFF800, s13;
	[sflag:s15] =	ssyncset.done $0x0  }
0x6a: {  	s13 =	sadd.s32 s3, s13;
	[sflag:s15] =	ssyncadd.s32 $0xFFFFE000  }
0x6b: {  	[hbm4b:s13+s21] =	stream.strided.scatter [tilespmem:s16], [sflag:$0xC], $0x2000, s18, s21, $0x38;
	[tilespmem:$0x1A400] =	vst v63  }
0x6c: {  	s12 =	sadd.s32 s5, s12;
	s16 =	simm.s32 $0x3  }
0x6d: {  	s12 =	sshll.u32 s12, $0x4;
	_ =	swait.ge [sflag:s16], $0x2000  }
0x6e: {  	s12 =	sand.u32 $0x1FFFF000, s12;
	[sflag:s16] =	ssyncset.done $0x0  }
0x6f: {  	s12 =	sadd.s32 s3, s12;
	[sflag:s16] =	ssyncadd.s32 $0xFFFFE000  }
0x70: {  	[hbm4b:s12+s21] =	stream.strided.scatter [tilespmem:s17], [sflag:$0xD], $0x2000, s18, s21, $0x38;
	[tilespmem:$0x1A400] =	vst v63  }
0x71: {  	s11 =	sadd.s32 s5, s11;
	s17 =	simm.s32 $0x4  }
0x72: {  	s11 =	sshll.u32 s11, $0x4;
	_ =	swait.ge [sflag:s17], $0x2000  }
0x73: {  	s11 =	sand.u32 $0x1FFFF800, s11;
	[sflag:s17] =	ssyncset.done $0x0  }
0x74: {  	s11 =	sadd.s32 s3, s11;
	[sflag:s17] =	ssyncadd.s32 $0xFFFFE000  }
0x75: {  	[hbm4b:s11+s21] =	stream.strided.scatter [tilespmem:s19], [sflag:$0xE], $0x2000, s18, s21, $0x38;
	[tilespmem:$0x1A400] =	vst v63  }
0x76: {  	s10 =	sadd.s32 s5, s10;
	s19 =	simm.s32 $0x5  }
0x77: {  	s10 =	sshll.u32 s10, $0x4;
	_ =	swait.ge [sflag:s19], $0x2000  }
0x78: {  	s10 =	sand.u32 $0x1FFFF000, s10;
	[sflag:s19] =	ssyncset.done $0x0  }
0x79: {  	s10 =	sadd.s32 s3, s10;
	[sflag:s19] =	ssyncadd.s32 $0xFFFFE000  }
0x7a: {  	[hbm4b:s10+s21] =	stream.strided.scatter [tilespmem:s20], [sflag:$0xF], $0x2000, s18, s21, $0x38;
	[tilespmem:$0x1A400] =	vst v63  }
0x7b: {  	s9 =	sadd.s32 s5, s9;
	s20 =	simm.s32 $0x6  }
0x7c: {  	s9 =	sshll.u32 s9, $0x4;
	_ =	swait.ge [sflag:s20], $0x2000  }
0x7d: {  	s9 =	sand.u32 $0x1FFFF800, s9;
	[sflag:s20] =	ssyncset.done $0x0  }
0x7e: {  	s9 =	sadd.s32 s3, s9;
	[sflag:s20] =	ssyncadd.s32 $0xFFFFE000  }
0x7f: {  	[hbm4b:s9+s21] =	stream.strided.scatter [tilespmem:s22], [sflag:$0x10], $0x2000, s18, s21, $0x38;
	[tilespmem:$0x1A400] =	vst v63  }
0x80: {  	s6 =	sadd.s32 s5, s6;
	s4 =	sadd.s32 s5, s4;
	s22 =	simm.s32 $0x7  }
0x81: {  	s0 =	sadd.s32 s5, s0;
	s6 =	sshll.u32 s6, $0x4;
	_ =	swait.ge [sflag:s22], $0x2000  }
0x82: {  	s7 =	sadd.s32 $0x500, s7;
	s6 =	sand.u32 $0x1FFFF000, s6;
	[sflag:s22] =	ssyncset.done $0x0  }
0x83: {  	s8 =	sadd.s32 $0x500, s8;
	s6 =	sadd.s32 s3, s6;
	[sflag:s22] =	ssyncadd.s32 $0xFFFFE000  }
0x84: {  	[hbm4b:s6+s21] =	stream.strided.scatter [tilespmem:s23], [sflag:$0x11], $0x2000, s18, s21, $0x38;
	[tilespmem:$0x1A400] =	vst v63  }
0x85: {  	s4 =	sshll.u32 s4, $0x4;
	s0 =	sshll.u32 s0, $0x4;
	_ =	swait.ge [sflag:s29], $0x2000  }
0x86: {  	p0 =	sne.s32 s7, $0x6800;
	s4 =	sand.u32 $0x1FFFF800, s4;
	[sflag:s29] =	ssyncset.done $0x0  }
0x87: {  	s0 =	sand.u32 $0x1FFFF000, s0;
	s4 =	sadd.s32 s3, s4;
	[sflag:s29] =	ssyncadd.s32 $0xFFFFE000  }
0x88: {  	[hbm4b:s4+s21] =	stream.strided.scatter [tilespmem:s24], [sflag:$0x12], $0x2000, s18, s21, $0x38;
	[tilespmem:$0x1A400] =	vst v63  }
0x89: {  	s0 =	sadd.s32 s3, s0;
	s14 =	simm.s32 $0x14400;
	_ =	swait.ge [sflag:s30], $0x2000  }
0x8a: {  	s13 =	simm.s32 $0x12400;
	s12 =	simm.s32 $0x10400;
	[sflag:s30] =	ssyncset.done $0x0  }
0x8b: {  	s17 =	simm.s32 $0x16400;
	s11 =	simm.s32 $0xE400;
	[sflag:s30] =	ssyncadd.s32 $0xFFFFE000  }
0x8c: {  	[hbm4b:s0+s21] =	stream.strided.scatter [tilespmem:s25], [sflag:$0x13], $0x2000, s18, s21, $0x38;
	[tilespmem:$0x1A400] =	vst v63  }
.Ltmp3:
0x8d: {  	s10 =	simm.s32 $0xC400;
	s25 =	sadd.s32 s5, s2;
	(pc) =	sbr.rel @!p0 .LBB2_6-.Ltmp3, $4  }
0x8e: {  	s9 =	simm.s32 $0xA400;
	_ =	swait.ge [sflag:s31], $0x2000;
	s0 =	sshll.u32 s25, $0x4  }
0x8f: {  	s6 =	simm.s32 $0x8400;
	[sflag:s31] =	ssyncset.done $0x0;
	s0 =	sand.u32 $0x1FFFF800, s0  }
0x90: {  	s4 =	simm.s32 $0x6400;
	[sflag:s31] =	ssyncadd.s32 $0xFFFFE000;
	s0 =	sadd.s32 s3, s0  }
0x91: {  	[hbm4b:s0+s21] =	stream.strided.scatter [tilespmem:s26], [sflag:$0x14], $0x2000, s18, s21, $0x38;
	[tilespmem:$0x1A400] =	vst v63  }
.LBB2_2:
0x92: {  	p0 =	sne.s32 s7, $0x400  }
.Ltmp4:
0x93: {  	_ = 	snop;
	(pc) =	sbr.rel @p0 .LBB2_4-.Ltmp4, $1  }
0x94: {  	_ =	sdelay $0x3  }
0x95: {  	s13 =	simm.s32 $0x80;
	s15 =	simm.s32 $0x6400;
	s14 =	simm.s32 $0x0  }
0x96: {  	[tilespmem:s15], [sflag:$0x1] =	stream.indirect.gather [hbm4b:s1+s13], $0x40, s14, s13, $0xb8;
	[tilespmem:$0x1A400] =	vst v63  }
0x97: {  	s16 =	simm.s32 $0x8400  }
0x98: {  	[tilespmem:s16], [sflag:$0x2] =	stream.indirect.gather [hbm4b:s1+s13], $0x40, s13, s13, $0xb8;
	[tilespmem:$0x1A400] =	vst v63  }
0x99: {  	s17 =	simm.s32 $0xA400;
	s12 =	simm.s32 $0x100  }
0x9a: {  	[tilespmem:s17], [sflag:$0x3] =	stream.indirect.gather [hbm4b:s1+s13], $0x40, s12, s13, $0xb8;
	[tilespmem:$0x1A400] =	vst v63  }
0x9b: {  	s19 =	simm.s32 $0xC400;
	s11 =	simm.s32 $0x180  }
0x9c: {  	[tilespmem:s19], [sflag:$0x4] =	stream.indirect.gather [hbm4b:s1+s13], $0x40, s11, s13, $0xb8;
	[tilespmem:$0x1A400] =	vst v63  }
0x9d: {  	s20 =	simm.s32 $0xE400;
	s10 =	simm.s32 $0x200  }
0x9e: {  	[tilespmem:s20], [sflag:$0x5] =	stream.indirect.gather [hbm4b:s1+s13], $0x40, s10, s13, $0xb8;
	[tilespmem:$0x1A400] =	vst v63  }
0x9f: {  	s22 =	simm.s32 $0x10400;
	s9 =	simm.s32 $0x280  }
0xa0: {  	[tilespmem:s22], [sflag:$0x6] =	stream.indirect.gather [hbm4b:s1+s13], $0x40, s9, s13, $0xb8;
	[tilespmem:$0x1A400] =	vst v63  }
0xa1: {  	s23 =	simm.s32 $0x12400;
	s6 =	simm.s32 $0x300  }
0xa2: {  	[tilespmem:s23], [sflag:$0x7] =	stream.indirect.gather [hbm4b:s1+s13], $0x40, s6, s13, $0xb8;
	[tilespmem:$0x1A400] =	vst v63  }
.Ltmp5:
0xa3: {  	_ = 	snop;
	(pc) =	sbr.rel .LBB2_5-.Ltmp5, $4  }
0xa4: {  	s24 =	simm.s32 $0x14400;
	s4 =	simm.s32 $0x380  }
0xa5: {  	[tilespmem:s24], [sflag:$0x8] =	stream.indirect.gather [hbm4b:s1+s13], $0x40, s4, s13, $0xb8;
	[tilespmem:$0x1A400] =	vst v63  }
0xa6: {  	s25 =	simm.s32 $0x16400;
	s0 =	simm.s32 $0x400  }
0xa7: {  	[tilespmem:s25], [sflag:$0x9] =	stream.indirect.gather [hbm4b:s1+s13], $0x40, s0, s13, $0xb8;
	[tilespmem:$0x1A400] =	vst v63  }
.LBB2_7:
0xa8: {  	_ =	sfence.sel $0x180000  }
0xa9: {  	[bflag:$0x0] =	sbarrier.arrive $0xFFFF  }
0xaa: {  	_ =	strace $0x90000047  }
0xab: {  	s0 =	stileid.u32;
	[bflag:$0x2] =	sbarrier.arrive $0xFFFF  }
0xac: {  	p0 =	sne.s32 s0, $0x0;
	s0 =	rddreg [dreg:$0x3]  }
0xad: {  	s0 =	sadd.s32 @!p0 $0x100000, s0  }
0xae: {  	[sflag:s0] =	ssyncadd.tile.s32 @!p0 $0x1;
	_ =	shalt  }
.Lfunc_end2:
_tile_overlayer_lowered:
.L_overlay_start_2:
0xaf: {  	(tag) =	ssettag $0x2  }
0xb0: {  	s0 =	rddreg [dreg:$0x0];
	s2 =	stileid.u32  }
0xb1: {  	s1 =	rddreg [dreg:$0x1];
	p0 =	sne.s32 s2, $0x0  }
0xb2: {  	s3 =	rddreg [dreg:$0x2];
	[bflag:$0x3] =	sbarrier.arrive $0xFFFF;
	s2 =	simm.s32 @!p0 $0x1C15  }
0xb3: {  	[timem:s3], [sflag:s2] =	dma.local @!p0 [hbm:s0], s1  }
0xb4: {  	s0 =	simm.s32 @!p0 $0x15  }
0xb5: {  	_ =	swait.ge @!p0 [sflag:s0], s1  }
0xb6: {  	s1 =	ssub.s32 @!p0 $0x0, s1;
	[sflag:s0] =	ssyncset.done @!p0 $0x0  }
0xb7: {  	[sflag:s0] =	ssyncadd.s32 @!p0 s1  }
0xb8: {  	[bflag:$0x3] =	sbarrier.arrive $0xFFFF  }
0xb9: {  	_ =	shalt  }

</sc_bundles>
